<compile_context>
chip_gen: v7x
topology: tpu7x:2x2x1
jax: 0.10.2.dev20260603
libtpu: 0.0.44.dev20260713+nightly
codegen_flags: <defaults>
</compile_context>

<pallas_src>
import functools

import jax
import jax.numpy as jnp
from jax import lax
from jax.experimental import pallas as pl
from jax.experimental.pallas import tpu as pltpu
from jax.experimental.pallas import tpu_sc as plsc

F = 26
CARD = 100001
D = 32
B = 16384
NC = 2
NS = 16
NW = NC * NS
XC = 4096
NXC = B // XC
L = 16


def _sc_body(xt, wt, ot, tbl, xv0, xv1, ov0, ov1,
             tsem, xs0, xs1, os0, os1):
    e = lax.axis_index("c") * NS + lax.axis_index("s")
    xv = [xv0, xv1]
    ov = [ov0, ov1]
    xsem = [xs0, xs1]
    osem = [os0, os1]

    def do_field(f, carry):
        tcp = pltpu.async_copy(wt.at[f, e], tbl, tsem)
        xcp = [None, None]
        ocp = [None, None]
        xcp[0] = pltpu.async_copy(xt.at[f, pl.ds(0, XC)], xv[0], xsem[0])
        tcp.wait()
        for c in range(NXC):
            s = c % 2
            if c + 1 < NXC:
                xcp[s ^ 1] = pltpu.async_copy(
                    xt.at[f, pl.ds((c + 1) * XC, XC)], xv[s ^ 1], xsem[s ^ 1])
            xcp[s].wait()
            if c >= 2:
                ocp[s].wait()

            def grp(i, carry2):
                for u in range(16):
                    idx = xv[s][pl.ds((i * 16 + u) * L, L)]
                    ov[s][pl.ds((i * 16 + u) * L, L)] = plsc.load_gather(tbl, [idx])
                return carry2
            lax.fori_loop(0, XC // L // 16, grp, 0)

            ocp[s] = pltpu.async_copy(
                ov[s], ot.at[f, e, pl.ds(c * XC, XC)], osem[s])
        ocp[0].wait()
        ocp[1].wait()
        return carry

    lax.fori_loop(0, F, do_field, 0)


_emb = functools.partial(
    pl.kernel,
    mesh=plsc.VectorSubcoreMesh(core_axis_name="c", subcore_axis_name="s"),
    out_type=jax.ShapeDtypeStruct((F, D, B), jnp.float32),
    compiler_params=pltpu.CompilerParams(needs_layout_passes=False),
    scratch_types=[
        pltpu.VMEM((CARD,), jnp.float32),
        pltpu.VMEM((XC,), jnp.int32),
        pltpu.VMEM((XC,), jnp.int32),
        pltpu.VMEM((XC,), jnp.float32),
        pltpu.VMEM((XC,), jnp.float32),
        pltpu.SemaphoreType.DMA,
        pltpu.SemaphoreType.DMA,
        pltpu.SemaphoreType.DMA,
        pltpu.SemaphoreType.DMA,
        pltpu.SemaphoreType.DMA,
    ],
)(_sc_body)


def kernel(x, W):
    xt = x.T
    wt = jnp.transpose(W, (0, 2, 1))
    ot = _emb(xt, wt)
    return jnp.transpose(ot, (2, 0, 1))

# --- scband reference (transcript-rebuilt; emitter-appended) ---
"""Pipeline reference for scband-categorical-embeddings1d-73452530696340 (READ-ONLY COPY).

The authoritative reference and input builder live on the scoring server;
editing this copy changes nothing except your own understanding.
"""

import jax, jax.numpy as jnp
import numpy as np
import math

N_FIELDS = 26
CARD = 100000
D_EMB = 32
BATCH = 16384

def setup_inputs(seed: int = 0) -> dict:
    key = jax.random.key(seed)
    kx, kw = jax.random.split(key)
    x = jax.random.randint(kx, (BATCH, N_FIELDS), 0, CARD, dtype=jnp.int32)
    d_rsqrt = 1.0 / math.sqrt(D_EMB)
    # Stacked embedding tables: one table of shape [CARD+1, D_EMB] per field
    W = jax.random.uniform(kw, (N_FIELDS, CARD + 1, D_EMB), dtype=jnp.float32, minval=-d_rsqrt, maxval=d_rsqrt)
    return {"x": x, "W": W}

def reference(x, W):
    # Faithful translation: per-field embedding lookup, then stack on dim=-2
    tmp = []
    for i in range(N_FIELDS):
        tmp.append(jnp.take(W[i], x[..., i], axis=0))
    return jnp.stack(tmp, axis=-2)

if __name__ == "__main__":
    import jax
    _d = setup_inputs()
    print(jax.jit(kernel)(*tuple(_d.values())))

</pallas_src>

<mosaic_0001>
#map = affine_map<(d0, d1) -> (0, 0)>
#map1 = affine_map<(d0, d1) -> (0, 0, 0)>
module attributes {stable_mosaic.version = 14 : i64} {
  func.func @_sc_body(%arg0: i32, %arg1: i32, %arg2: memref<26x16384xi32, #tpu.memory_space<hbm>>, %arg3: memref<26x32x100001xf32, #tpu.memory_space<hbm>>, %arg4: memref<26x32x16384xf32, #tpu.memory_space<hbm>>, %arg5: memref<100001xf32, #tpu.memory_space<vmem>>, %arg6: memref<4096xi32, #tpu.memory_space<vmem>>, %arg7: memref<4096xi32, #tpu.memory_space<vmem>>, %arg8: memref<4096xf32, #tpu.memory_space<vmem>>, %arg9: memref<4096xf32, #tpu.memory_space<vmem>>, %arg10: memref<!tpu.dma_semaphore, #tpu.memory_space<semaphore_mem>>, %arg11: memref<!tpu.dma_semaphore, #tpu.memory_space<semaphore_mem>>, %arg12: memref<!tpu.dma_semaphore, #tpu.memory_space<semaphore_mem>>, %arg13: memref<!tpu.dma_semaphore, #tpu.memory_space<semaphore_mem>>, %arg14: memref<!tpu.dma_semaphore, #tpu.memory_space<semaphore_mem>>) attributes {dimension_semantics = [#tpu.dimension_semantics<core_parallel>, #tpu.dimension_semantics<subcore_parallel>], iteration_bounds = array<i64: 2, 16>, scalar_prefetch = 0 : i64, scratch_operands = 10 : i64, tpu.core_type = #tpu.core_type<sc_vector_subcore>, window_params = [{transform_indices = #map}, {transform_indices = #map1}, {transform_indices = #map1}]} {
    %mul3A = arith.constant 16 : i32
    %mul3A_0 = arith.muli %arg0, %mul3A : i32
    %add3A = arith.addi %mul3A_0, %arg1 : i32
    %scan3A = arith.constant 0 : i32
    %scan3A_1 = arith.constant 0 : i32
    %scan3A_2 = arith.constant 26 : i32
    %scan3A_3 = arith.addi %scan3A_1, %scan3A_2 : i32
    %scan3A_4 = arith.constant 1 : i32
    scf.for %scan3A_6 = %scan3A_1 to %scan3A_3 step %scan3A_4  : i32 {
      %dma_start3A = arith.constant 0 : i32
      %dma_start3A_7 = tpu.memref_slice %arg3[%scan3A_6, %add3A, %dma_start3A] : memref<26x32x100001xf32, #tpu.memory_space<hbm>> -> memref<1x1x100001xf32, #tpu.memory_space<hbm>>
      %dma_start3A_8 = tpu.memref_squeeze %dma_start3A_7 : memref<1x1x100001xf32, #tpu.memory_space<hbm>> -> memref<100001xf32, #tpu.memory_space<hbm>>
      %dma_start3A_9 = arith.constant 0 : i32
      %dma_start3A_10 = tpu.memref_slice %arg3[%scan3A_6, %add3A, %dma_start3A_9] : memref<26x32x100001xf32, #tpu.memory_space<hbm>> -> memref<1x1x100001xf32, #tpu.memory_space<hbm>>
      %dma_start3A_11 = tpu.memref_squeeze %dma_start3A_10 : memref<1x1x100001xf32, #tpu.memory_space<hbm>> -> memref<100001xf32, #tpu.memory_space<hbm>>
      tpu.enqueue_dma source(%dma_start3A_11 : memref<100001xf32, #tpu.memory_space<hbm>>) target(%arg5 : memref<100001xf32, #tpu.memory_space<vmem>>) target_semaphore(%arg10 : memref<!tpu.dma_semaphore, #tpu.memory_space<semaphore_mem>>)
      %dma_start3A_12 = arith.constant 0 : i32
      %dma_start3A_13 = tpu.memref_slice %arg2[%scan3A_6, %dma_start3A_12] : memref<26x16384xi32, #tpu.memory_space<hbm>> -> memref<1x4096xi32, #tpu.memory_space<hbm>>
      %dma_start3A_14 = tpu.memref_squeeze %dma_start3A_13 : memref<1x4096xi32, #tpu.memory_space<hbm>> -> memref<4096xi32, #tpu.memory_space<hbm>>
      %dma_start3A_15 = arith.constant 0 : i32
      %dma_start3A_16 = tpu.memref_slice %arg2[%scan3A_6, %dma_start3A_15] : memref<26x16384xi32, #tpu.memory_space<hbm>> -> memref<1x4096xi32, #tpu.memory_space<hbm>>
      %dma_start3A_17 = tpu.memref_squeeze %dma_start3A_16 : memref<1x4096xi32, #tpu.memory_space<hbm>> -> memref<4096xi32, #tpu.memory_space<hbm>>
      tpu.enqueue_dma source(%dma_start3A_17 : memref<4096xi32, #tpu.memory_space<hbm>>) target(%arg6 : memref<4096xi32, #tpu.memory_space<vmem>>) target_semaphore(%arg11 : memref<!tpu.dma_semaphore, #tpu.memory_space<semaphore_mem>>)
      %dma_wait3A = arith.constant 0 : i32
      %dma_wait3A_18 = tpu.memref_slice %arg3[%scan3A_6, %add3A, %dma_wait3A] : memref<26x32x100001xf32, #tpu.memory_space<hbm>> -> memref<1x1x100001xf32, #tpu.memory_space<hbm>>
      %dma_wait3A_19 = tpu.memref_squeeze %dma_wait3A_18 : memref<1x1x100001xf32, #tpu.memory_space<hbm>> -> memref<100001xf32, #tpu.memory_space<hbm>>
      %dma_wait3A_20 = arith.constant 0 : i32
      %dma_wait3A_21 = tpu.memref_slice %arg3[%scan3A_6, %add3A, %dma_wait3A_20] : memref<26x32x100001xf32, #tpu.memory_space<hbm>> -> memref<1x1x100001xf32, #tpu.memory_space<hbm>>
      %dma_wait3A_22 = tpu.memref_squeeze %dma_wait3A_21 : memref<1x1x100001xf32, #tpu.memory_space<hbm>> -> memref<100001xf32, #tpu.memory_space<hbm>>
      tpu.wait_dma2 semaphore(%arg10 : memref<!tpu.dma_semaphore, #tpu.memory_space<semaphore_mem>>) src(%dma_wait3A_22 : memref<100001xf32, #tpu.memory_space<hbm>>) dst(%arg5 : memref<100001xf32, #tpu.memory_space<vmem>>)
      %dma_start3A_23 = arith.constant 4096 : i32
      %dma_start3A_24 = tpu.memref_slice %arg2[%scan3A_6, %dma_start3A_23] : memref<26x16384xi32, #tpu.memory_space<hbm>> -> memref<1x4096xi32, #tpu.memory_space<hbm>>
      %dma_start3A_25 = tpu.memref_squeeze %dma_start3A_24 : memref<1x4096xi32, #tpu.memory_space<hbm>> -> memref<4096xi32, #tpu.memory_space<hbm>>
      %dma_start3A_26 = arith.constant 4096 : i32
      %dma_start3A_27 = tpu.memref_slice %arg2[%scan3A_6, %dma_start3A_26] : memref<26x16384xi32, #tpu.memory_space<hbm>> -> memref<1x4096xi32, #tpu.memory_space<hbm>>
      %dma_start3A_28 = tpu.memref_squeeze %dma_start3A_27 : memref<1x4096xi32, #tpu.memory_space<hbm>> -> memref<4096xi32, #tpu.memory_space<hbm>>
      tpu.enqueue_dma source(%dma_start3A_28 : memref<4096xi32, #tpu.memory_space<hbm>>) target(%arg7 : memref<4096xi32, #tpu.memory_space<vmem>>) target_semaphore(%arg12 : memref<!tpu.dma_semaphore, #tpu.memory_space<semaphore_mem>>)
      %dma_wait3A_29 = arith.constant 0 : i32
      %dma_wait3A_30 = tpu.memref_slice %arg2[%scan3A_6, %dma_wait3A_29] : memref<26x16384xi32, #tpu.memory_space<hbm>> -> memref<1x4096xi32, #tpu.memory_space<hbm>>
      %dma_wait3A_31 = tpu.memref_squeeze %dma_wait3A_30 : memref<1x4096xi32, #tpu.memory_space<hbm>> -> memref<4096xi32, #tpu.memory_space<hbm>>
      %dma_wait3A_32 = arith.constant 0 : i32
      %dma_wait3A_33 = tpu.memref_slice %arg2[%scan3A_6, %dma_wait3A_32] : memref<26x16384xi32, #tpu.memory_space<hbm>> -> memref<1x4096xi32, #tpu.memory_space<hbm>>
      %dma_wait3A_34 = tpu.memref_squeeze %dma_wait3A_33 : memref<1x4096xi32, #tpu.memory_space<hbm>> -> memref<4096xi32, #tpu.memory_space<hbm>>
      tpu.wait_dma2 semaphore(%arg11 : memref<!tpu.dma_semaphore, #tpu.memory_space<semaphore_mem>>) src(%dma_wait3A_34 : memref<4096xi32, #tpu.memory_space<hbm>>) dst(%arg6 : memref<4096xi32, #tpu.memory_space<vmem>>)
      %scan3A_35 = arith.constant 0 : i32
      %scan3A_36 = arith.constant 0 : i32
      %scan3A_37 = arith.constant 16 : i32
      %scan3A_38 = arith.addi %scan3A_36, %scan3A_37 : i32
      %scan3A_39 = arith.constant 1 : i32
      scf.for %scan3A_137 = %scan3A_36 to %scan3A_38 step %scan3A_39  : i32 {
        %mul3A_138 = arith.constant 16 : i32
        %mul3A_139 = arith.muli %scan3A_137, %mul3A_138 : i32
        %add3A_140 = arith.constant 0 : i32
        %add3A_141 = arith.addi %mul3A_139, %add3A_140 : i32
        %mul3A_142 = arith.constant 16 : i32
        %mul3A_143 = arith.muli %add3A_141, %mul3A_142 : i32
        %get3A = arith.index_cast %mul3A_143 : i32 to index
        %get3A_144 = tpu.vector_load %arg6[%get3A] {strides = array<i32>} : memref<4096xi32, #tpu.memory_space<vmem>>, vector<16xi32>,
        %gather3A = tpu.vector_load_idx %arg5[%get3A_144] : memref<100001xf32, #tpu.memory_space<vmem>>[vector<16xi32>], vector<16xf32>,
        %mul3A_145 = arith.constant 16 : i32
        %mul3A_146 = arith.muli %scan3A_137, %mul3A_145 : i32
        %add3A_147 = arith.constant 0 : i32
        %add3A_148 = arith.addi %mul3A_146, %add3A_147 : i32
        %mul3A_149 = arith.constant 16 : i32
        %mul3A_150 = arith.muli %add3A_148, %mul3A_149 : i32
        %swap3A = arith.index_cast %mul3A_150 : i32 to index
        %swap3A_151 = tpu.vector_load %arg8[%swap3A] {strides = array<i32>} : memref<4096xf32, #tpu.memory_space<vmem>>, vector<16xf32>,
        tpu.vector_store %arg8[%swap3A], %gather3A {strides = array<i32>} : memref<4096xf32, #tpu.memory_space<vmem>>, vector<16xf32>,
        %mul3A_152 = arith.constant 16 : i32
        %mul3A_153 = arith.muli %scan3A_137, %mul3A_152 : i32
        %add3A_154 = arith.constant 1 : i32
        %add3A_155 = arith.addi %mul3A_153, %add3A_154 : i32
        %mul3A_156 = arith.constant 16 : i32
        %mul3A_157 = arith.muli %add3A_155, %mul3A_156 : i32
        %get3A_158 = arith.index_cast %mul3A_157 : i32 to index
        %get3A_159 = tpu.vector_load %arg6[%get3A_158] {strides = array<i32>} : memref<4096xi32, #tpu.memory_space<vmem>>, vector<16xi32>,
        %gather3A_160 = tpu.vector_load_idx %arg5[%get3A_159] : memref<100001xf32, #tpu.memory_space<vmem>>[vector<16xi32>], vector<16xf32>,
        %mul3A_161 = arith.constant 16 : i32
        %mul3A_162 = arith.muli %scan3A_137, %mul3A_161 : i32
        %add3A_163 = arith.constant 1 : i32
        %add3A_164 = arith.addi %mul3A_162, %add3A_163 : i32
        %mul3A_165 = arith.constant 16 : i32
        %mul3A_166 = arith.muli %add3A_164, %mul3A_165 : i32
        %swap3A_167 = arith.index_cast %mul3A_166 : i32 to index
        %swap3A_168 = tpu.vector_load %arg8[%swap3A_167] {strides = array<i32>} : memref<4096xf32, #tpu.memory_space<vmem>>, vector<16xf32>,
        tpu.vector_store %arg8[%swap3A_167], %gather3A_160 {strides = array<i32>} : memref<4096xf32, #tpu.memory_space<vmem>>, vector<16xf32>,
        %mul3A_169 = arith.constant 16 : i32
        %mul3A_170 = arith.muli %scan3A_137, %mul3A_169 : i32
        %add3A_171 = arith.constant 2 : i32
        %add3A_172 = arith.addi %mul3A_170, %add3A_171 : i32
        %mul3A_173 = arith.constant 16 : i32
        %mul3A_174 = arith.muli %add3A_172, %mul3A_173 : i32
        %get3A_175 = arith.index_cast %mul3A_174 : i32 to index
        %get3A_176 = tpu.vector_load %arg6[%get3A_175] {strides = array<i32>} : memref<4096xi32, #tpu.memory_space<vmem>>, vector<16xi32>,
        %gather3A_177 = tpu.vector_load_idx %arg5[%get3A_176] : memref<100001xf32, #tpu.memory_space<vmem>>[vector<16xi32>], vector<16xf32>,
        %mul3A_178 = arith.constant 16 : i32
        %mul3A_179 = arith.muli %scan3A_137, %mul3A_178 : i32
        %add3A_180 = arith.constant 2 : i32
        %add3A_181 = arith.addi %mul3A_179, %add3A_180 : i32
        %mul3A_182 = arith.constant 16 : i32
        %mul3A_183 = arith.muli %add3A_181, %mul3A_182 : i32
        %swap3A_184 = arith.index_cast %mul3A_183 : i32 to index
        %swap3A_185 = tpu.vector_load %arg8[%swap3A_184] {strides = array<i32>} : memref<4096xf32, #tpu.memory_space<vmem>>, vector<16xf32>,
        tpu.vector_store %arg8[%swap3A_184], %gather3A_177 {strides = array<i32>} : memref<4096xf32, #tpu.memory_space<vmem>>, vector<16xf32>,
        %mul3A_186 = arith.constant 16 : i32
        %mul3A_187 = arith.muli %scan3A_137, %mul3A_186 : i32
        %add3A_188 = arith.constant 3 : i32
        %add3A_189 = arith.addi %mul3A_187, %add3A_188 : i32
        %mul3A_190 = arith.constant 16 : i32
        %mul3A_191 = arith.muli %add3A_189, %mul3A_190 : i32
        %get3A_192 = arith.index_cast %mul3A_191 : i32 to index
        %get3A_193 = tpu.vector_load %arg6[%get3A_192] {strides = array<i32>} : memref<4096xi32, #tpu.memory_space<vmem>>, vector<16xi32>,
        %gather3A_194 = tpu.vector_load_idx %arg5[%get3A_193] : memref<100001xf32, #tpu.memory_space<vmem>>[vector<16xi32>], vector<16xf32>,
        %mul3A_195 = arith.constant 16 : i32
        %mul3A_196 = arith.muli %scan3A_137, %mul3A_195 : i32
        %add3A_197 = arith.constant 3 : i32
        %add3A_198 = arith.addi %mul3A_196, %add3A_197 : i32
        %mul3A_199 = arith.constant 16 : i32
        %mul3A_200 = arith.muli %add3A_198, %mul3A_199 : i32
        %swap3A_201 = arith.index_cast %mul3A_200 : i32 to index
        %swap3A_202 = tpu.vector_load %arg8[%swap3A_201] {strides = array<i32>} : memref<4096xf32, #tpu.memory_space<vmem>>, vector<16xf32>,
        tpu.vector_store %arg8[%swap3A_201], %gather3A_194 {strides = array<i32>} : memref<4096xf32, #tpu.memory_space<vmem>>, vector<16xf32>,
        %mul3A_203 = arith.constant 16 : i32
        %mul3A_204 = arith.muli %scan3A_137, %mul3A_203 : i32
        %add3A_205 = arith.constant 4 : i32
        %add3A_206 = arith.addi %mul3A_204, %add3A_205 : i32
        %mul3A_207 = arith.constant 16 : i32
        %mul3A_208 = arith.muli %add3A_206, %mul3A_207 : i32
        %get3A_209 = arith.index_cast %mul3A_208 : i32 to index
        %get3A_210 = tpu.vector_load %arg6[%get3A_209] {strides = array<i32>} : memref<4096xi32, #tpu.memory_space<vmem>>, vector<16xi32>,
        %gather3A_211 = tpu.vector_load_idx %arg5[%get3A_210] : memref<100001xf32, #tpu.memory_space<vmem>>[vector<16xi32>], vector<16xf32>,
        %mul3A_212 = arith.constant 16 : i32
        %mul3A_213 = arith.muli %scan3A_137, %mul3A_212 : i32
        %add3A_214 = arith.constant 4 : i32
        %add3A_215 = arith.addi %mul3A_213, %add3A_214 : i32
        %mul3A_216 = arith.constant 16 : i32
        %mul3A_217 = arith.muli %add3A_215, %mul3A_216 : i32
        %swap3A_218 = arith.index_cast %mul3A_217 : i32 to index
        %swap3A_219 = tpu.vector_load %arg8[%swap3A_218] {strides = array<i32>} : memref<4096xf32, #tpu.memory_space<vmem>>, vector<16xf32>,
        tpu.vector_store %arg8[%swap3A_218], %gather3A_211 {strides = array<i32>} : memref<4096xf32, #tpu.memory_space<vmem>>, vector<16xf32>,
        %mul3A_220 = arith.constant 16 : i32
        %mul3A_221 = arith.muli %scan3A_137, %mul3A_220 : i32
        %add3A_222 = arith.constant 5 : i32
        %add3A_223 = arith.addi %mul3A_221, %add3A_222 : i32
        %mul3A_224 = arith.constant 16 : i32
        %mul3A_225 = arith.muli %add3A_223, %mul3A_224 : i32
        %get3A_226 = arith.index_cast %mul3A_225 : i32 to index
        %get3A_227 = tpu.vector_load %arg6[%get3A_226] {strides = array<i32>} : memref<4096xi32, #tpu.memory_space<vmem>>, vector<16xi32>,
        %gather3A_228 = tpu.vector_load_idx %arg5[%get3A_227] : memref<100001xf32, #tpu.memory_space<vmem>>[vector<16xi32>], vector<16xf32>,
        %mul3A_229 = arith.constant 16 : i32
        %mul3A_230 = arith.muli %scan3A_137, %mul3A_229 : i32
        %add3A_231 = arith.constant 5 : i32
        %add3A_232 = arith.addi %mul3A_230, %add3A_231 : i32
        %mul3A_233 = arith.constant 16 : i32
        %mul3A_234 = arith.muli %add3A_232, %mul3A_233 : i32
        %swap3A_235 = arith.index_cast %mul3A_234 : i32 to index
        %swap3A_236 = tpu.vector_load %arg8[%swap3A_235] {strides = array<i32>} : memref<4096xf32, #tpu.memory_space<vmem>>, vector<16xf32>,
        tpu.vector_store %arg8[%swap3A_235], %gather3A_228 {strides = array<i32>} : memref<4096xf32, #tpu.memory_space<vmem>>, vector<16xf32>,
        %mul3A_237 = arith.constant 16 : i32
        %mul3A_238 = arith.muli %scan3A_137, %mul3A_237 : i32
        %add3A_239 = arith.constant 6 : i32
        %add3A_240 = arith.addi %mul3A_238, %add3A_239 : i32
        %mul3A_241 = arith.constant 16 : i32
        %mul3A_242 = arith.muli %add3A_240, %mul3A_241 : i32
        %get3A_243 = arith.index_cast %mul3A_242 : i32 to index
        %get3A_244 = tpu.vector_load %arg6[%get3A_243] {strides = array<i32>} : memref<4096xi32, #tpu.memory_space<vmem>>, vector<16xi32>,
        %gather3A_245 = tpu.vector_load_idx %arg5[%get3A_244] : memref<100001xf32, #tpu.memory_space<vmem>>[vector<16xi32>], vector<16xf32>,
        %mul3A_246 = arith.constant 16 : i32
        %mul3A_247 = arith.muli %scan3A_137, %mul3A_246 : i32
        %add3A_248 = arith.constant 6 : i32
        %add3A_249 = arith.addi %mul3A_247, %add3A_248 : i32
        %mul3A_250 = arith.constant 16 : i32
        %mul3A_251 = arith.muli %add3A_249, %mul3A_250 : i32
        %swap3A_252 = arith.index_cast %mul3A_251 : i32 to index
        %swap3A_253 = tpu.vector_load %arg8[%swap3A_252] {strides = array<i32>} : memref<4096xf32, #tpu.memory_space<vmem>>, vector<16xf32>,
        tpu.vector_store %arg8[%swap3A_252], %gather3A_245 {strides = array<i32>} : memref<4096xf32, #tpu.memory_space<vmem>>, vector<16xf32>,
        %mul3A_254 = arith.constant 16 : i32
        %mul3A_255 = arith.muli %scan3A_137, %mul3A_254 : i32
        %add3A_256 = arith.constant 7 : i32
        %add3A_257 = arith.addi %mul3A_255, %add3A_256 : i32
        %mul3A_258 = arith.constant 16 : i32
        %mul3A_259 = arith.muli %add3A_257, %mul3A_258 : i32
        %get3A_260 = arith.index_cast %mul3A_259 : i32 to index
        %get3A_261 = tpu.vector_load %arg6[%get3A_260] {strides = array<i32>} : memref<4096xi32, #tpu.memory_space<vmem>>, vector<16xi32>,
        %gather3A_262 = tpu.vector_load_idx %arg5[%get3A_261] : memref<100001xf32, #tpu.memory_space<vmem>>[vector<16xi32>], vector<16xf32>,
        %mul3A_263 = arith.constant 16 : i32
        %mul3A_264 = arith.muli %scan3A_137, %mul3A_263 : i32
        %add3A_265 = arith.constant 7 : i32
        %add3A_266 = arith.addi %mul3A_264, %add3A_265 : i32
        %mul3A_267 = arith.constant 16 : i32
        %mul3A_268 = arith.muli %add3A_266, %mul3A_267 : i32
        %swap3A_269 = arith.index_cast %mul3A_268 : i32 to index
        %swap3A_270 = tpu.vector_load %arg8[%swap3A_269] {strides = array<i32>} : memref<4096xf32, #tpu.memory_space<vmem>>, vector<16xf32>,
        tpu.vector_store %arg8[%swap3A_269], %gather3A_262 {strides = array<i32>} : memref<4096xf32, #tpu.memory_space<vmem>>, vector<16xf32>,
        %mul3A_271 = arith.constant 16 : i32
        %mul3A_272 = arith.muli %scan3A_137, %mul3A_271 : i32
        %add3A_273 = arith.constant 8 : i32
        %add3A_274 = arith.addi %mul3A_272, %add3A_273 : i32
        %mul3A_275 = arith.constant 16 : i32
        %mul3A_276 = arith.muli %add3A_274, %mul3A_275 : i32
        %get3A_277 = arith.index_cast %mul3A_276 : i32 to index
        %get3A_278 = tpu.vector_load %arg6[%get3A_277] {strides = array<i32>} : memref<4096xi32, #tpu.memory_space<vmem>>, vector<16xi32>,
        %gather3A_279 = tpu.vector_load_idx %arg5[%get3A_278] : memref<100001xf32, #tpu.memory_space<vmem>>[vector<16xi32>], vector<16xf32>,
        %mul3A_280 = arith.constant 16 : i32
        %mul3A_281 = arith.muli %scan3A_137, %mul3A_280 : i32
        %add3A_282 = arith.constant 8 : i32
        %add3A_283 = arith.addi %mul3A_281, %add3A_282 : i32
        %mul3A_284 = arith.constant 16 : i32
        %mul3A_285 = arith.muli %add3A_283, %mul3A_284 : i32
        %swap3A_286 = arith.index_cast %mul3A_285 : i32 to index
        %swap3A_287 = tpu.vector_load %arg8[%swap3A_286] {strides = array<i32>} : memref<4096xf32, #tpu.memory_space<vmem>>, vector<16xf32>,
        tpu.vector_store %arg8[%swap3A_286], %gather3A_279 {strides = array<i32>} : memref<4096xf32, #tpu.memory_space<vmem>>, vector<16xf32>,
        %mul3A_288 = arith.constant 16 : i32
        %mul3A_289 = arith.muli %scan3A_137, %mul3A_288 : i32
        %add3A_290 = arith.constant 9 : i32
        %add3A_291 = arith.addi %mul3A_289, %add3A_290 : i32
        %mul3A_292 = arith.constant 16 : i32
        %mul3A_293 = arith.muli %add3A_291, %mul3A_292 : i32
        %get3A_294 = arith.index_cast %mul3A_293 : i32 to index
        %get3A_295 = tpu.vector_load %arg6[%get3A_294] {strides = array<i32>} : memref<4096xi32, #tpu.memory_space<vmem>>, vector<16xi32>,
        %gather3A_296 = tpu.vector_load_idx %arg5[%get3A_295] : memref<100001xf32, #tpu.memory_space<vmem>>[vector<16xi32>], vector<16xf32>,
        %mul3A_297 = arith.constant 16 : i32
        %mul3A_298 = arith.muli %scan3A_137, %mul3A_297 : i32
        %add3A_299 = arith.constant 9 : i32
        %add3A_300 = arith.addi %mul3A_298, %add3A_299 : i32
        %mul3A_301 = arith.constant 16 : i32
        %mul3A_302 = arith.muli %add3A_300, %mul3A_301 : i32
        %swap3A_303 = arith.index_cast %mul3A_302 : i32 to index
        %swap3A_304 = tpu.vector_load %arg8[%swap3A_303] {strides = array<i32>} : memref<4096xf32, #tpu.memory_space<vmem>>, vector<16xf32>,
        tpu.vector_store %arg8[%swap3A_303], %gather3A_296 {strides = array<i32>} : memref<4096xf32, #tpu.memory_space<vmem>>, vector<16xf32>,
        %mul3A_305 = arith.constant 16 : i32
        %mul3A_306 = arith.muli %scan3A_137, %mul3A_305 : i32
        %add3A_307 = arith.constant 10 : i32
        %add3A_308 = arith.addi %mul3A_306, %add3A_307 : i32
        %mul3A_309 = arith.constant 16 : i32
        %mul3A_310 = arith.muli %add3A_308, %mul3A_309 : i32
        %get3A_311 = arith.index_cast %mul3A_310 : i32 to index
        %get3A_312 = tpu.vector_load %arg6[%get3A_311] {strides = array<i32>} : memref<4096xi32, #tpu.memory_space<vmem>>, vector<16xi32>,
        %gather3A_313 = tpu.vector_load_idx %arg5[%get3A_312] : memref<100001xf32, #tpu.memory_space<vmem>>[vector<16xi32>], vector<16xf32>,
        %mul3A_314 = arith.constant 16 : i32
        %mul3A_315 = arith.muli %scan3A_137, %mul3A_314 : i32
        %add3A_316 = arith.constant 10 : i32
        %add3A_317 = arith.addi %mul3A_315, %add3A_316 : i32
        %mul3A_318 = arith.constant 16 : i32
        %mul3A_319 = arith.muli %add3A_317, %mul3A_318 : i32
        %swap3A_320 = arith.index_cast %mul3A_319 : i32 to index
        %swap3A_321 = tpu.vector_load %arg8[%swap3A_320] {strides = array<i32>} : memref<4096xf32, #tpu.memory_space<vmem>>, vector<16xf32>,
        tpu.vector_store %arg8[%swap3A_320], %gather3A_313 {strides = array<i32>} : memref<4096xf32, #tpu.memory_space<vmem>>, vector<16xf32>,
        %mul3A_322 = arith.constant 16 : i32
        %mul3A_323 = arith.muli %scan3A_137, %mul3A_322 : i32
        %add3A_324 = arith.constant 11 : i32
        %add3A_325 = arith.addi %mul3A_323, %add3A_324 : i32
        %mul3A_326 = arith.constant 16 : i32
        %mul3A_327 = arith.muli %add3A_325, %mul3A_326 : i32
        %get3A_328 = arith.index_cast %mul3A_327 : i32 to index
        %get3A_329 = tpu.vector_load %arg6[%get3A_328] {strides = array<i32>} : memref<4096xi32, #tpu.memory_space<vmem>>, vector<16xi32>,
        %gather3A_330 = tpu.vector_load_idx %arg5[%get3A_329] : memref<100001xf32, #tpu.memory_space<vmem>>[vector<16xi32>], vector<16xf32>,
        %mul3A_331 = arith.constant 16 : i32
        %mul3A_332 = arith.muli %scan3A_137, %mul3A_331 : i32
        %add3A_333 = arith.constant 11 : i32
        %add3A_334 = arith.addi %mul3A_332, %add3A_333 : i32
        %mul3A_335 = arith.constant 16 : i32
        %mul3A_336 = arith.muli %add3A_334, %mul3A_335 : i32
        %swap3A_337 = arith.index_cast %mul3A_336 : i32 to index
        %swap3A_338 = tpu.vector_load %arg8[%swap3A_337] {strides = array<i32>} : memref<4096xf32, #tpu.memory_space<vmem>>, vector<16xf32>,
        tpu.vector_store %arg8[%swap3A_337], %gather3A_330 {strides = array<i32>} : memref<4096xf32, #tpu.memory_space<vmem>>, vector<16xf32>,
        %mul3A_339 = arith.constant 16 : i32
        %mul3A_340 = arith.muli %scan3A_137, %mul3A_339 : i32
        %add3A_341 = arith.constant 12 : i32
        %add3A_342 = arith.addi %mul3A_340, %add3A_341 : i32
        %mul3A_343 = arith.constant 16 : i32
        %mul3A_344 = arith.muli %add3A_342, %mul3A_343 : i32
        %get3A_345 = arith.index_cast %mul3A_344 : i32 to index
        %get3A_346 = tpu.vector_load %arg6[%get3A_345] {strides = array<i32>} : memref<4096xi32, #tpu.memory_space<vmem>>, vector<16xi32>,
        %gather3A_347 = tpu.vector_load_idx %arg5[%get3A_346] : memref<100001xf32, #tpu.memory_space<vmem>>[vector<16xi32>], vector<16xf32>,
        %mul3A_348 = arith.constant 16 : i32
        %mul3A_349 = arith.muli %scan3A_137, %mul3A_348 : i32
        %add3A_350 = arith.constant 12 : i32
        %add3A_351 = arith.addi %mul3A_349, %add3A_350 : i32
        %mul3A_352 = arith.constant 16 : i32
        %mul3A_353 = arith.muli %add3A_351, %mul3A_352 : i32
        %swap3A_354 = arith.index_cast %mul3A_353 : i32 to index
        %swap3A_355 = tpu.vector_load %arg8[%swap3A_354] {strides = array<i32>} : memref<4096xf32, #tpu.memory_space<vmem>>, vector<16xf32>,
        tpu.vector_store %arg8[%swap3A_354], %gather3A_347 {strides = array<i32>} : memref<4096xf32, #tpu.memory_space<vmem>>, vector<16xf32>,
        %mul3A_356 = arith.constant 16 : i32
        %mul3A_357 = arith.muli %scan3A_137, %mul3A_356 : i32
        %add3A_358 = arith.constant 13 : i32
        %add3A_359 = arith.addi %mul3A_357, %add3A_358 : i32
        %mul3A_360 = arith.constant 16 : i32
        %mul3A_361 = arith.muli %add3A_359, %mul3A_360 : i32
        %get3A_362 = arith.index_cast %mul3A_361 : i32 to index
        %get3A_363 = tpu.vector_load %arg6[%get3A_362] {strides = array<i32>} : memref<4096xi32, #tpu.memory_space<vmem>>, vector<16xi32>,
        %gather3A_364 = tpu.vector_load_idx %arg5[%get3A_363] : memref<100001xf32, #tpu.memory_space<vmem>>[vector<16xi32>], vector<16xf32>,
        %mul3A_365 = arith.constant 16 : i32
        %mul3A_366 = arith.muli %scan3A_137, %mul3A_365 : i32
        %add3A_367 = arith.constant 13 : i32
        %add3A_368 = arith.addi %mul3A_366, %add3A_367 : i32
        %mul3A_369 = arith.constant 16 : i32
        %mul3A_370 = arith.muli %add3A_368, %mul3A_369 : i32
        %swap3A_371 = arith.index_cast %mul3A_370 : i32 to index
        %swap3A_372 = tpu.vector_load %arg8[%swap3A_371] {strides = array<i32>} : memref<4096xf32, #tpu.memory_space<vmem>>, vector<16xf32>,
        tpu.vector_store %arg8[%swap3A_371], %gather3A_364 {strides = array<i32>} : memref<4096xf32, #tpu.memory_space<vmem>>, vector<16xf32>,
        %mul3A_373 = arith.constant 16 : i32
        %mul3A_374 = arith.muli %scan3A_137, %mul3A_373 : i32
        %add3A_375 = arith.constant 14 : i32
        %add3A_376 = arith.addi %mul3A_374, %add3A_375 : i32
        %mul3A_377 = arith.constant 16 : i32
        %mul3A_378 = arith.muli %add3A_376, %mul3A_377 : i32
        %get3A_379 = arith.index_cast %mul3A_378 : i32 to index
        %get3A_380 = tpu.vector_load %arg6[%get3A_379] {strides = array<i32>} : memref<4096xi32, #tpu.memory_space<vmem>>, vector<16xi32>,
        %gather3A_381 = tpu.vector_load_idx %arg5[%get3A_380] : memref<100001xf32, #tpu.memory_space<vmem>>[vector<16xi32>], vector<16xf32>,
        %mul3A_382 = arith.constant 16 : i32
        %mul3A_383 = arith.muli %scan3A_137, %mul3A_382 : i32
        %add3A_384 = arith.constant 14 : i32
        %add3A_385 = arith.addi %mul3A_383, %add3A_384 : i32
        %mul3A_386 = arith.constant 16 : i32
        %mul3A_387 = arith.muli %add3A_385, %mul3A_386 : i32
        %swap3A_388 = arith.index_cast %mul3A_387 : i32 to index
        %swap3A_389 = tpu.vector_load %arg8[%swap3A_388] {strides = array<i32>} : memref<4096xf32, #tpu.memory_space<vmem>>, vector<16xf32>,
        tpu.vector_store %arg8[%swap3A_388], %gather3A_381 {strides = array<i32>} : memref<4096xf32, #tpu.memory_space<vmem>>, vector<16xf32>,
        %mul3A_390 = arith.constant 16 : i32
        %mul3A_391 = arith.muli %scan3A_137, %mul3A_390 : i32
        %add3A_392 = arith.constant 15 : i32
        %add3A_393 = arith.addi %mul3A_391, %add3A_392 : i32
        %mul3A_394 = arith.constant 16 : i32
        %mul3A_395 = arith.muli %add3A_393, %mul3A_394 : i32
        %get3A_396 = arith.index_cast %mul3A_395 : i32 to index
        %get3A_397 = tpu.vector_load %arg6[%get3A_396] {strides = array<i32>} : memref<4096xi32, #tpu.memory_space<vmem>>, vector<16xi32>,
        %gather3A_398 = tpu.vector_load_idx %arg5[%get3A_397] : memref<100001xf32, #tpu.memory_space<vmem>>[vector<16xi32>], vector<16xf32>,
        %mul3A_399 = arith.constant 16 : i32
        %mul3A_400 = arith.muli %scan3A_137, %mul3A_399 : i32
        %add3A_401 = arith.constant 15 : i32
        %add3A_402 = arith.addi %mul3A_400, %add3A_401 : i32
        %mul3A_403 = arith.constant 16 : i32
        %mul3A_404 = arith.muli %add3A_402, %mul3A_403 : i32
        %swap3A_405 = arith.index_cast %mul3A_404 : i32 to index
        %swap3A_406 = tpu.vector_load %arg8[%swap3A_405] {strides = array<i32>} : memref<4096xf32, #tpu.memory_space<vmem>>, vector<16xf32>,
        tpu.vector_store %arg8[%swap3A_405], %gather3A_398 {strides = array<i32>} : memref<4096xf32, #tpu.memory_space<vmem>>, vector<16xf32>,
      }
      %scan3A_40 = arith.constant 16 : i32
      %dma_start3A_41 = arith.constant 0 : i32
      %dma_start3A_42 = tpu.memref_slice %arg4[%scan3A_6, %add3A, %dma_start3A_41] : memref<26x32x16384xf32, #tpu.memory_space<hbm>> -> memref<1x1x4096xf32, #tpu.memory_space<hbm>>
      %dma_start3A_43 = tpu.memref_squeeze %dma_start3A_42 : memref<1x1x4096xf32, #tpu.memory_space<hbm>> -> memref<4096xf32, #tpu.memory_space<hbm>>
      %dma_start3A_44 = arith.constant 0 : i32
      %dma_start3A_45 = tpu.memref_slice %arg4[%scan3A_6, %add3A, %dma_start3A_44] : memref<26x32x16384xf32, #tpu.memory_space<hbm>> -> memref<1x1x4096xf32, #tpu.memory_space<hbm>>
      %dma_start3A_46 = tpu.memref_squeeze %dma_start3A_45 : memref<1x1x4096xf32, #tpu.memory_space<hbm>> -> memref<4096xf32, #tpu.memory_space<hbm>>
      tpu.enqueue_dma source(%arg8 : memref<4096xf32, #tpu.memory_space<vmem>>) target(%dma_start3A_46 : memref<4096xf32, #tpu.memory_space<hbm>>) target_semaphore(%arg13 : memref<!tpu.dma_semaphore, #tpu.memory_space<semaphore_mem>>)
      %dma_start3A_47 = arith.constant 8192 : i32
      %dma_start3A_48 = tpu.memref_slice %arg2[%scan3A_6, %dma_start3A_47] : memref<26x16384xi32, #tpu.memory_space<hbm>> -> memref<1x4096xi32, #tpu.memory_space<hbm>>
      %dma_start3A_49 = tpu.memref_squeeze %dma_start3A_48 : memref<1x4096xi32, #tpu.memory_space<hbm>> -> memref<4096xi32, #tpu.memory_space<hbm>>
      %dma_start3A_50 = arith.constant 8192 : i32
      %dma_start3A_51 = tpu.memref_slice %arg2[%scan3A_6, %dma_start3A_50] : memref<26x16384xi32, #tpu.memory_space<hbm>> -> memref<1x4096xi32, #tpu.memory_space<hbm>>
      %dma_start3A_52 = tpu.memref_squeeze %dma_start3A_51 : memref<1x4096xi32, #tpu.memory_space<hbm>> -> memref<4096xi32, #tpu.memory_space<hbm>>
      tpu.enqueue_dma source(%dma_start3A_52 : memref<4096xi32, #tpu.memory_space<hbm>>) target(%arg6 : memref<4096xi32, #tpu.memory_space<vmem>>) target_semaphore(%arg11 : memref<!tpu.dma_semaphore, #tpu.memory_space<semaphore_mem>>)
      %dma_wait3A_53 = arith.constant 4096 : i32
      %dma_wait3A_54 = tpu.memref_slice %arg2[%scan3A_6, %dma_wait3A_53] : memref<26x16384xi32, #tpu.memory_space<hbm>> -> memref<1x4096xi32, #tpu.memory_space<hbm>>
      %dma_wait3A_55 = tpu.memref_squeeze %dma_wait3A_54 : memref<1x4096xi32, #tpu.memory_space<hbm>> -> memref<4096xi32, #tpu.memory_space<hbm>>
      %dma_wait3A_56 = arith.constant 4096 : i32
      %dma_wait3A_57 = tpu.memref_slice %arg2[%scan3A_6, %dma_wait3A_56] : memref<26x16384xi32, #tpu.memory_space<hbm>> -> memref<1x4096xi32, #tpu.memory_space<hbm>>
      %dma_wait3A_58 = tpu.memref_squeeze %dma_wait3A_57 : memref<1x4096xi32, #tpu.memory_space<hbm>> -> memref<4096xi32, #tpu.memory_space<hbm>>
      tpu.wait_dma2 semaphore(%arg12 : memref<!tpu.dma_semaphore, #tpu.memory_space<semaphore_mem>>) src(%dma_wait3A_58 : memref<4096xi32, #tpu.memory_space<hbm>>) dst(%arg7 : memref<4096xi32, #tpu.memory_space<vmem>>)
      %scan3A_59 = arith.constant 0 : i32
      %scan3A_60 = arith.constant 0 : i32
      %scan3A_61 = arith.constant 16 : i32
      %scan3A_62 = arith.addi %scan3A_60, %scan3A_61 : i32
      %scan3A_63 = arith.constant 1 : i32
      scf.for %scan3A_137 = %scan3A_60 to %scan3A_62 step %scan3A_63  : i32 {
        %mul3A_138 = arith.constant 16 : i32
        %mul3A_139 = arith.muli %scan3A_137, %mul3A_138 : i32
        %add3A_140 = arith.constant 0 : i32
        %add3A_141 = arith.addi %mul3A_139, %add3A_140 : i32
        %mul3A_142 = arith.constant 16 : i32
        %mul3A_143 = arith.muli %add3A_141, %mul3A_142 : i32
        %get3A = arith.index_cast %mul3A_143 : i32 to index
        %get3A_144 = tpu.vector_load %arg7[%get3A] {strides = array<i32>} : memref<4096xi32, #tpu.memory_space<vmem>>, vector<16xi32>,
        %gather3A = tpu.vector_load_idx %arg5[%get3A_144] : memref<100001xf32, #tpu.memory_space<vmem>>[vector<16xi32>], vector<16xf32>,
        %mul3A_145 = arith.constant 16 : i32
        %mul3A_146 = arith.muli %scan3A_137, %mul3A_145 : i32
        %add3A_147 = arith.constant 0 : i32
        %add3A_148 = arith.addi %mul3A_146, %add3A_147 : i32
        %mul3A_149 = arith.constant 16 : i32
        %mul3A_150 = arith.muli %add3A_148, %mul3A_149 : i32
        %swap3A = arith.index_cast %mul3A_150 : i32 to index
        %swap3A_151 = tpu.vector_load %arg9[%swap3A] {strides = array<i32>} : memref<4096xf32, #tpu.memory_space<vmem>>, vector<16xf32>,
        tpu.vector_store %arg9[%swap3A], %gather3A {strides = array<i32>} : memref<4096xf32, #tpu.memory_space<vmem>>, vector<16xf32>,
        %mul3A_152 = arith.constant 16 : i32
        %mul3A_153 = arith.muli %scan3A_137, %mul3A_152 : i32
        %add3A_154 = arith.constant 1 : i32
        %add3A_155 = arith.addi %mul3A_153, %add3A_154 : i32
        %mul3A_156 = arith.constant 16 : i32
        %mul3A_157 = arith.muli %add3A_155, %mul3A_156 : i32
        %get3A_158 = arith.index_cast %mul3A_157 : i32 to index
        %get3A_159 = tpu.vector_load %arg7[%get3A_158] {strides = array<i32>} : memref<4096xi32, #tpu.memory_space<vmem>>, vector<16xi32>,
        %gather3A_160 = tpu.vector_load_idx %arg5[%get3A_159] : memref<100001xf32, #tpu.memory_space<vmem>>[vector<16xi32>], vector<16xf32>,
        %mul3A_161 = arith.constant 16 : i32
        %mul3A_162 = arith.muli %scan3A_137, %mul3A_161 : i32
        %add3A_163 = arith.constant 1 : i32
        %add3A_164 = arith.addi %mul3A_162, %add3A_163 : i32
        %mul3A_165 = arith.constant 16 : i32
        %mul3A_166 = arith.muli %add3A_164, %mul3A_165 : i32
        %swap3A_167 = arith.index_cast %mul3A_166 : i32 to index
        %swap3A_168 = tpu.vector_load %arg9[%swap3A_167] {strides = array<i32>} : memref<4096xf32, #tpu.memory_space<vmem>>, vector<16xf32>,
        tpu.vector_store %arg9[%swap3A_167], %gather3A_160 {strides = array<i32>} : memref<4096xf32, #tpu.memory_space<vmem>>, vector<16xf32>,
        %mul3A_169 = arith.constant 16 : i32
        %mul3A_170 = arith.muli %scan3A_137, %mul3A_169 : i32
        %add3A_171 = arith.constant 2 : i32
        %add3A_172 = arith.addi %mul3A_170, %add3A_171 : i32
        %mul3A_173 = arith.constant 16 : i32
        %mul3A_174 = arith.muli %add3A_172, %mul3A_173 : i32
        %get3A_175 = arith.index_cast %mul3A_174 : i32 to index
        %get3A_176 = tpu.vector_load %arg7[%get3A_175] {strides = array<i32>} : memref<4096xi32, #tpu.memory_space<vmem>>, vector<16xi32>,
        %gather3A_177 = tpu.vector_load_idx %arg5[%get3A_176] : memref<100001xf32, #tpu.memory_space<vmem>>[vector<16xi32>], vector<16xf32>,
        %mul3A_178 = arith.constant 16 : i32
        %mul3A_179 = arith.muli %scan3A_137, %mul3A_178 : i32
        %add3A_180 = arith.constant 2 : i32
        %add3A_181 = arith.addi %mul3A_179, %add3A_180 : i32
        %mul3A_182 = arith.constant 16 : i32
        %mul3A_183 = arith.muli %add3A_181, %mul3A_182 : i32
        %swap3A_184 = arith.index_cast %mul3A_183 : i32 to index
        %swap3A_185 = tpu.vector_load %arg9[%swap3A_184] {strides = array<i32>} : memref<4096xf32, #tpu.memory_space<vmem>>, vector<16xf32>,
        tpu.vector_store %arg9[%swap3A_184], %gather3A_177 {strides = array<i32>} : memref<4096xf32, #tpu.memory_space<vmem>>, vector<16xf32>,
        %mul3A_186 = arith.constant 16 : i32
        %mul3A_187 = arith.muli %scan3A_137, %mul3A_186 : i32
        %add3A_188 = arith.constant 3 : i32
        %add3A_189 = arith.addi %mul3A_187, %add3A_188 : i32
        %mul3A_190 = arith.constant 16 : i32
        %mul3A_191 = arith.muli %add3A_189, %mul3A_190 : i32
        %get3A_192 = arith.index_cast %mul3A_191 : i32 to index
        %get3A_193 = tpu.vector_load %arg7[%get3A_192] {strides = array<i32>} : memref<4096xi32, #tpu.memory_space<vmem>>, vector<16xi32>,
        %gather3A_194 = tpu.vector_load_idx %arg5[%get3A_193] : memref<100001xf32, #tpu.memory_space<vmem>>[vector<16xi32>], vector<16xf32>,
        %mul3A_195 = arith.constant 16 : i32
        %mul3A_196 = arith.muli %scan3A_137, %mul3A_195 : i32
        %add3A_197 = arith.constant 3 : i32
        %add3A_198 = arith.addi %mul3A_196, %add3A_197 : i32
        %mul3A_199 = arith.constant 16 : i32
        %mul3A_200 = arith.muli %add3A_198, %mul3A_199 : i32
        %swap3A_201 = arith.index_cast %mul3A_200 : i32 to index
        %swap3A_202 = tpu.vector_load %arg9[%swap3A_201] {strides = array<i32>} : memref<4096xf32, #tpu.memory_space<vmem>>, vector<16xf32>,
        tpu.vector_store %arg9[%swap3A_201], %gather3A_194 {strides = array<i32>} : memref<4096xf32, #tpu.memory_space<vmem>>, vector<16xf32>,
        %mul3A_203 = arith.constant 16 : i32
        %mul3A_204 = arith.muli %scan3A_137, %mul3A_203 : i32
        %add3A_205 = arith.constant 4 : i32
        %add3A_206 = arith.addi %mul3A_204, %add3A_205 : i32
        %mul3A_207 = arith.constant 16 : i32
        %mul3A_208 = arith.muli %add3A_206, %mul3A_207 : i32
        %get3A_209 = arith.index_cast %mul3A_208 : i32 to index
        %get3A_210 = tpu.vector_load %arg7[%get3A_209] {strides = array<i32>} : memref<4096xi32, #tpu.memory_space<vmem>>, vector<16xi32>,
        %gather3A_211 = tpu.vector_load_idx %arg5[%get3A_210] : memref<100001xf32, #tpu.memory_space<vmem>>[vector<16xi32>], vector<16xf32>,
        %mul3A_212 = arith.constant 16 : i32
        %mul3A_213 = arith.muli %scan3A_137, %mul3A_212 : i32
        %add3A_214 = arith.constant 4 : i32
        %add3A_215 = arith.addi %mul3A_213, %add3A_214 : i32
        %mul3A_216 = arith.constant 16 : i32
        %mul3A_217 = arith.muli %add3A_215, %mul3A_216 : i32
        %swap3A_218 = arith.index_cast %mul3A_217 : i32 to index
        %swap3A_219 = tpu.vector_load %arg9[%swap3A_218] {strides = array<i32>} : memref<4096xf32, #tpu.memory_space<vmem>>, vector<16xf32>,
        tpu.vector_store %arg9[%swap3A_218], %gather3A_211 {strides = array<i32>} : memref<4096xf32, #tpu.memory_space<vmem>>, vector<16xf32>,
        %mul3A_220 = arith.constant 16 : i32
        %mul3A_221 = arith.muli %scan3A_137, %mul3A_220 : i32
        %add3A_222 = arith.constant 5 : i32
        %add3A_223 = arith.addi %mul3A_221, %add3A_222 : i32
        %mul3A_224 = arith.constant 16 : i32
        %mul3A_225 = arith.muli %add3A_223, %mul3A_224 : i32
        %get3A_226 = arith.index_cast %mul3A_225 : i32 to index
        %get3A_227 = tpu.vector_load %arg7[%get3A_226] {strides = array<i32>} : memref<4096xi32, #tpu.memory_space<vmem>>, vector<16xi32>,
        %gather3A_228 = tpu.vector_load_idx %arg5[%get3A_227] : memref<100001xf32, #tpu.memory_space<vmem>>[vector<16xi32>], vector<16xf32>,
        %mul3A_229 = arith.constant 16 : i32
        %mul3A_230 = arith.muli %scan3A_137, %mul3A_229 : i32
        %add3A_231 = arith.constant 5 : i32
        %add3A_232 = arith.addi %mul3A_230, %add3A_231 : i32
        %mul3A_233 = arith.constant 16 : i32
        %mul3A_234 = arith.muli %add3A_232, %mul3A_233 : i32
        %swap3A_235 = arith.index_cast %mul3A_234 : i32 to index
        %swap3A_236 = tpu.vector_load %arg9[%swap3A_235] {strides = array<i32>} : memref<4096xf32, #tpu.memory_space<vmem>>, vector<16xf32>,
        tpu.vector_store %arg9[%swap3A_235], %gather3A_228 {strides = array<i32>} : memref<4096xf32, #tpu.memory_space<vmem>>, vector<16xf32>,
        %mul3A_237 = arith.constant 16 : i32
        %mul3A_238 = arith.muli %scan3A_137, %mul3A_237 : i32
        %add3A_239 = arith.constant 6 : i32
        %add3A_240 = arith.addi %mul3A_238, %add3A_239 : i32
        %mul3A_241 = arith.constant 16 : i32
        %mul3A_242 = arith.muli %add3A_240, %mul3A_241 : i32
        %get3A_243 = arith.index_cast %mul3A_242 : i32 to index
        %get3A_244 = tpu.vector_load %arg7[%get3A_243] {strides = array<i32>} : memref<4096xi32, #tpu.memory_space<vmem>>, vector<16xi32>,
        %gather3A_245 = tpu.vector_load_idx %arg5[%get3A_244] : memref<100001xf32, #tpu.memory_space<vmem>>[vector<16xi32>], vector<16xf32>,
        %mul3A_246 = arith.constant 16 : i32
        %mul3A_247 = arith.muli %scan3A_137, %mul3A_246 : i32
        %add3A_248 = arith.constant 6 : i32
        %add3A_249 = arith.addi %mul3A_247, %add3A_248 : i32
        %mul3A_250 = arith.constant 16 : i32
        %mul3A_251 = arith.muli %add3A_249, %mul3A_250 : i32
        %swap3A_252 = arith.index_cast %mul3A_251 : i32 to index
        %swap3A_253 = tpu.vector_load %arg9[%swap3A_252] {strides = array<i32>} : memref<4096xf32, #tpu.memory_space<vmem>>, vector<16xf32>,
        tpu.vector_store %arg9[%swap3A_252], %gather3A_245 {strides = array<i32>} : memref<4096xf32, #tpu.memory_space<vmem>>, vector<16xf32>,
        %mul3A_254 = arith.constant 16 : i32
        %mul3A_255 = arith.muli %scan3A_137, %mul3A_254 : i32
        %add3A_256 = arith.constant 7 : i32
        %add3A_257 = arith.addi %mul3A_255, %add3A_256 : i32
        %mul3A_258 = arith.constant 16 : i32
        %mul3A_259 = arith.muli %add3A_257, %mul3A_258 : i32
        %get3A_260 = arith.index_cast %mul3A_259 : i32 to index
        %get3A_261 = tpu.vector_load %arg7[%get3A_260] {strides = array<i32>} : memref<4096xi32, #tpu.memory_space<vmem>>, vector<16xi32>,
        %gather3A_262 = tpu.vector_load_idx %arg5[%get3A_261] : memref<100001xf32, #tpu.memory_space<vmem>>[vector<16xi32>], vector<16xf32>,
        %mul3A_263 = arith.constant 16 : i32
        %mul3A_264 = arith.muli %scan3A_137, %mul3A_263 : i32
        %add3A_265 = arith.constant 7 : i32
        %add3A_266 = arith.addi %mul3A_264, %add3A_265 : i32
        %mul3A_267 = arith.constant 16 : i32
        %mul3A_268 = arith.muli %add3A_266, %mul3A_267 : i32
        %swap3A_269 = arith.index_cast %mul3A_268 : i32 to index
        %swap3A_270 = tpu.vector_load %arg9[%swap3A_269] {strides = array<i32>} : memref<4096xf32, #tpu.memory_space<vmem>>, vector<16xf32>,
        tpu.vector_store %arg9[%swap3A_269], %gather3A_262 {strides = array<i32>} : memref<4096xf32, #tpu.memory_space<vmem>>, vector<16xf32>,
        %mul3A_271 = arith.constant 16 : i32
        %mul3A_272 = arith.muli %scan3A_137, %mul3A_271 : i32
        %add3A_273 = arith.constant 8 : i32
        %add3A_274 = arith.addi %mul3A_272, %add3A_273 : i32
        %mul3A_275 = arith.constant 16 : i32
        %mul3A_276 = arith.muli %add3A_274, %mul3A_275 : i32
        %get3A_277 = arith.index_cast %mul3A_276 : i32 to index
        %get3A_278 = tpu.vector_load %arg7[%get3A_277] {strides = array<i32>} : memref<4096xi32, #tpu.memory_space<vmem>>, vector<16xi32>,
        %gather3A_279 = tpu.vector_load_idx %arg5[%get3A_278] : memref<100001xf32, #tpu.memory_space<vmem>>[vector<16xi32>], vector<16xf32>,
        %mul3A_280 = arith.constant 16 : i32
        %mul3A_281 = arith.muli %scan3A_137, %mul3A_280 : i32
        %add3A_282 = arith.constant 8 : i32
        %add3A_283 = arith.addi %mul3A_281, %add3A_282 : i32
        %mul3A_284 = arith.constant 16 : i32
        %mul3A_285 = arith.muli %add3A_283, %mul3A_284 : i32
        %swap3A_286 = arith.index_cast %mul3A_285 : i32 to index
        %swap3A_287 = tpu.vector_load %arg9[%swap3A_286] {strides = array<i32>} : memref<4096xf32, #tpu.memory_space<vmem>>, vector<16xf32>,
        tpu.vector_store %arg9[%swap3A_286], %gather3A_279 {strides = array<i32>} : memref<4096xf32, #tpu.memory_space<vmem>>, vector<16xf32>,
        %mul3A_288 = arith.constant 16 : i32
        %mul3A_289 = arith.muli %scan3A_137, %mul3A_288 : i32
        %add3A_290 = arith.constant 9 : i32
        %add3A_291 = arith.addi %mul3A_289, %add3A_290 : i32
        %mul3A_292 = arith.constant 16 : i32
        %mul3A_293 = arith.muli %add3A_291, %mul3A_292 : i32
        %get3A_294 = arith.index_cast %mul3A_293 : i32 to index
        %get3A_295 = tpu.vector_load %arg7[%get3A_294] {strides = array<i32>} : memref<4096xi32, #tpu.memory_space<vmem>>, vector<16xi32>,
        %gather3A_296 = tpu.vector_load_idx %arg5[%get3A_295] : memref<100001xf32, #tpu.memory_space<vmem>>[vector<16xi32>], vector<16xf32>,
        %mul3A_297 = arith.constant 16 : i32
        %mul3A_298 = arith.muli %scan3A_137, %mul3A_297 : i32
        %add3A_299 = arith.constant 9 : i32
        %add3A_300 = arith.addi %mul3A_298, %add3A_299 : i32
        %mul3A_301 = arith.constant 16 : i32
        %mul3A_302 = arith.muli %add3A_300, %mul3A_301 : i32
        %swap3A_303 = arith.index_cast %mul3A_302 : i32 to index
        %swap3A_304 = tpu.vector_load %arg9[%swap3A_303] {strides = array<i32>} : memref<4096xf32, #tpu.memory_space<vmem>>, vector<16xf32>,
        tpu.vector_store %arg9[%swap3A_303], %gather3A_296 {strides = array<i32>} : memref<4096xf32, #tpu.memory_space<vmem>>, vector<16xf32>,
        %mul3A_305 = arith.constant 16 : i32
        %mul3A_306 = arith.muli %scan3A_137, %mul3A_305 : i32
        %add3A_307 = arith.constant 10 : i32
        %add3A_308 = arith.addi %mul3A_306, %add3A_307 : i32
        %mul3A_309 = arith.constant 16 : i32
        %mul3A_310 = arith.muli %add3A_308, %mul3A_309 : i32
        %get3A_311 = arith.index_cast %mul3A_310 : i32 to index
        %get3A_312 = tpu.vector_load %arg7[%get3A_311] {strides = array<i32>} : memref<4096xi32, #tpu.memory_space<vmem>>, vector<16xi32>,
        %gather3A_313 = tpu.vector_load_idx %arg5[%get3A_312] : memref<100001xf32, #tpu.memory_space<vmem>>[vector<16xi32>], vector<16xf32>,
        %mul3A_314 = arith.constant 16 : i32
        %mul3A_315 = arith.muli %scan3A_137, %mul3A_314 : i32
        %add3A_316 = arith.constant 10 : i32
        %add3A_317 = arith.addi %mul3A_315, %add3A_316 : i32
        %mul3A_318 = arith.constant 16 : i32
        %mul3A_319 = arith.muli %add3A_317, %mul3A_318 : i32
        %swap3A_320 = arith.index_cast %mul3A_319 : i32 to index
        %swap3A_321 = tpu.vector_load %arg9[%swap3A_320] {strides = array<i32>} : memref<4096xf32, #tpu.memory_space<vmem>>, vector<16xf32>,
        tpu.vector_store %arg9[%swap3A_320], %gather3A_313 {strides = array<i32>} : memref<4096xf32, #tpu.memory_space<vmem>>, vector<16xf32>,
        %mul3A_322 = arith.constant 16 : i32
        %mul3A_323 = arith.muli %scan3A_137, %mul3A_322 : i32
        %add3A_324 = arith.constant 11 : i32
        %add3A_325 = arith.addi %mul3A_323, %add3A_324 : i32
        %mul3A_326 = arith.constant 16 : i32
        %mul3A_327 = arith.muli %add3A_325, %mul3A_326 : i32
        %get3A_328 = arith.index_cast %mul3A_327 : i32 to index
        %get3A_329 = tpu.vector_load %arg7[%get3A_328] {strides = array<i32>} : memref<4096xi32, #tpu.memory_space<vmem>>, vector<16xi32>,
        %gather3A_330 = tpu.vector_load_idx %arg5[%get3A_329] : memref<100001xf32, #tpu.memory_space<vmem>>[vector<16xi32>], vector<16xf32>,
        %mul3A_331 = arith.constant 16 : i32
        %mul3A_332 = arith.muli %scan3A_137, %mul3A_331 : i32
        %add3A_333 = arith.constant 11 : i32
        %add3A_334 = arith.addi %mul3A_332, %add3A_333 : i32
        %mul3A_335 = arith.constant 16 : i32
        %mul3A_336 = arith.muli %add3A_334, %mul3A_335 : i32
        %swap3A_337 = arith.index_cast %mul3A_336 : i32 to index
        %swap3A_338 = tpu.vector_load %arg9[%swap3A_337] {strides = array<i32>} : memref<4096xf32, #tpu.memory_space<vmem>>, vector<16xf32>,
        tpu.vector_store %arg9[%swap3A_337], %gather3A_330 {strides = array<i32>} : memref<4096xf32, #tpu.memory_space<vmem>>, vector<16xf32>,
        %mul3A_339 = arith.constant 16 : i32
        %mul3A_340 = arith.muli %scan3A_137, %mul3A_339 : i32
        %add3A_341 = arith.constant 12 : i32
        %add3A_342 = arith.addi %mul3A_340, %add3A_341 : i32
        %mul3A_343 = arith.constant 16 : i32
        %mul3A_344 = arith.muli %add3A_342, %mul3A_343 : i32
        %get3A_345 = arith.index_cast %mul3A_344 : i32 to index
        %get3A_346 = tpu.vector_load %arg7[%get3A_345] {strides = array<i32>} : memref<4096xi32, #tpu.memory_space<vmem>>, vector<16xi32>,
        %gather3A_347 = tpu.vector_load_idx %arg5[%get3A_346] : memref<100001xf32, #tpu.memory_space<vmem>>[vector<16xi32>], vector<16xf32>,
        %mul3A_348 = arith.constant 16 : i32
        %mul3A_349 = arith.muli %scan3A_137, %mul3A_348 : i32
        %add3A_350 = arith.constant 12 : i32
        %add3A_351 = arith.addi %mul3A_349, %add3A_350 : i32
        %mul3A_352 = arith.constant 16 : i32
        %mul3A_353 = arith.muli %add3A_351, %mul3A_352 : i32
        %swap3A_354 = arith.index_cast %mul3A_353 : i32 to index
        %swap3A_355 = tpu.vector_load %arg9[%swap3A_354] {strides = array<i32>} : memref<4096xf32, #tpu.memory_space<vmem>>, vector<16xf32>,
        tpu.vector_store %arg9[%swap3A_354], %gather3A_347 {strides = array<i32>} : memref<4096xf32, #tpu.memory_space<vmem>>, vector<16xf32>,
        %mul3A_356 = arith.constant 16 : i32
        %mul3A_357 = arith.muli %scan3A_137, %mul3A_356 : i32
        %add3A_358 = arith.constant 13 : i32
        %add3A_359 = arith.addi %mul3A_357, %add3A_358 : i32
        %mul3A_360 = arith.constant 16 : i32
        %mul3A_361 = arith.muli %add3A_359, %mul3A_360 : i32
        %get3A_362 = arith.index_cast %mul3A_361 : i32 to index
        %get3A_363 = tpu.vector_load %arg7[%get3A_362] {strides = array<i32>} : memref<4096xi32, #tpu.memory_space<vmem>>, vector<16xi32>,
        %gather3A_364 = tpu.vector_load_idx %arg5[%get3A_363] : memref<100001xf32, #tpu.memory_space<vmem>>[vector<16xi32>], vector<16xf32>,
        %mul3A_365 = arith.constant 16 : i32
        %mul3A_366 = arith.muli %scan3A_137, %mul3A_365 : i32
        %add3A_367 = arith.constant 13 : i32
        %add3A_368 = arith.addi %mul3A_366, %add3A_367 : i32
        %mul3A_369 = arith.constant 16 : i32
        %mul3A_370 = arith.muli %add3A_368, %mul3A_369 : i32
        %swap3A_371 = arith.index_cast %mul3A_370 : i32 to index
        %swap3A_372 = tpu.vector_load %arg9[%swap3A_371] {strides = array<i32>} : memref<4096xf32, #tpu.memory_space<vmem>>, vector<16xf32>,
        tpu.vector_store %arg9[%swap3A_371], %gather3A_364 {strides = array<i32>} : memref<4096xf32, #tpu.memory_space<vmem>>, vector<16xf32>,
        %mul3A_373 = arith.constant 16 : i32
        %mul3A_374 = arith.muli %scan3A_137, %mul3A_373 : i32
        %add3A_375 = arith.constant 14 : i32
        %add3A_376 = arith.addi %mul3A_374, %add3A_375 : i32
        %mul3A_377 = arith.constant 16 : i32
        %mul3A_378 = arith.muli %add3A_376, %mul3A_377 : i32
        %get3A_379 = arith.index_cast %mul3A_378 : i32 to index
        %get3A_380 = tpu.vector_load %arg7[%get3A_379] {strides = array<i32>} : memref<4096xi32, #tpu.memory_space<vmem>>, vector<16xi32>,
        %gather3A_381 = tpu.vector_load_idx %arg5[%get3A_380] : memref<100001xf32, #tpu.memory_space<vmem>>[vector<16xi32>], vector<16xf32>,
        %mul3A_382 = arith.constant 16 : i32
        %mul3A_383 = arith.muli %scan3A_137, %mul3A_382 : i32
        %add3A_384 = arith.constant 14 : i32
        %add3A_385 = arith.addi %mul3A_383, %add3A_384 : i32
        %mul3A_386 = arith.constant 16 : i32
        %mul3A_387 = arith.muli %add3A_385, %mul3A_386 : i32
        %swap3A_388 = arith.index_cast %mul3A_387 : i32 to index
        %swap3A_389 = tpu.vector_load %arg9[%swap3A_388] {strides = array<i32>} : memref<4096xf32, #tpu.memory_space<vmem>>, vector<16xf32>,
        tpu.vector_store %arg9[%swap3A_388], %gather3A_381 {strides = array<i32>} : memref<4096xf32, #tpu.memory_space<vmem>>, vector<16xf32>,
        %mul3A_390 = arith.constant 16 : i32
        %mul3A_391 = arith.muli %scan3A_137, %mul3A_390 : i32
        %add3A_392 = arith.constant 15 : i32
        %add3A_393 = arith.addi %mul3A_391, %add3A_392 : i32
        %mul3A_394 = arith.constant 16 : i32
        %mul3A_395 = arith.muli %add3A_393, %mul3A_394 : i32
        %get3A_396 = arith.index_cast %mul3A_395 : i32 to index
        %get3A_397 = tpu.vector_load %arg7[%get3A_396] {strides = array<i32>} : memref<4096xi32, #tpu.memory_space<vmem>>, vector<16xi32>,
        %gather3A_398 = tpu.vector_load_idx %arg5[%get3A_397] : memref<100001xf32, #tpu.memory_space<vmem>>[vector<16xi32>], vector<16xf32>,
        %mul3A_399 = arith.constant 16 : i32
        %mul3A_400 = arith.muli %scan3A_137, %mul3A_399 : i32
        %add3A_401 = arith.constant 15 : i32
        %add3A_402 = arith.addi %mul3A_400, %add3A_401 : i32
        %mul3A_403 = arith.constant 16 : i32
        %mul3A_404 = arith.muli %add3A_402, %mul3A_403 : i32
        %swap3A_405 = arith.index_cast %mul3A_404 : i32 to index
        %swap3A_406 = tpu.vector_load %arg9[%swap3A_405] {strides = array<i32>} : memref<4096xf32, #tpu.memory_space<vmem>>, vector<16xf32>,
        tpu.vector_store %arg9[%swap3A_405], %gather3A_398 {strides = array<i32>} : memref<4096xf32, #tpu.memory_space<vmem>>, vector<16xf32>,
      }
      %scan3A_64 = arith.constant 16 : i32
      %dma_start3A_65 = arith.constant 4096 : i32
      %dma_start3A_66 = tpu.memref_slice %arg4[%scan3A_6, %add3A, %dma_start3A_65] : memref<26x32x16384xf32, #tpu.memory_space<hbm>> -> memref<1x1x4096xf32, #tpu.memory_space<hbm>>
      %dma_start3A_67 = tpu.memref_squeeze %dma_start3A_66 : memref<1x1x4096xf32, #tpu.memory_space<hbm>> -> memref<4096xf32, #tpu.memory_space<hbm>>
      %dma_start3A_68 = arith.constant 4096 : i32
      %dma_start3A_69 = tpu.memref_slice %arg4[%scan3A_6, %add3A, %dma_start3A_68] : memref<26x32x16384xf32, #tpu.memory_space<hbm>> -> memref<1x1x4096xf32, #tpu.memory_space<hbm>>
      %dma_start3A_70 = tpu.memref_squeeze %dma_start3A_69 : memref<1x1x4096xf32, #tpu.memory_space<hbm>> -> memref<4096xf32, #tpu.memory_space<hbm>>
      tpu.enqueue_dma source(%arg9 : memref<4096xf32, #tpu.memory_space<vmem>>) target(%dma_start3A_70 : memref<4096xf32, #tpu.memory_space<hbm>>) target_semaphore(%arg14 : memref<!tpu.dma_semaphore, #tpu.memory_space<semaphore_mem>>)
      %dma_start3A_71 = arith.constant 12288 : i32
      %dma_start3A_72 = tpu.memref_slice %arg2[%scan3A_6, %dma_start3A_71] : memref<26x16384xi32, #tpu.memory_space<hbm>> -> memref<1x4096xi32, #tpu.memory_space<hbm>>
      %dma_start3A_73 = tpu.memref_squeeze %dma_start3A_72 : memref<1x4096xi32, #tpu.memory_space<hbm>> -> memref<4096xi32, #tpu.memory_space<hbm>>
      %dma_start3A_74 = arith.constant 12288 : i32
      %dma_start3A_75 = tpu.memref_slice %arg2[%scan3A_6, %dma_start3A_74] : memref<26x16384xi32, #tpu.memory_space<hbm>> -> memref<1x4096xi32, #tpu.memory_space<hbm>>
      %dma_start3A_76 = tpu.memref_squeeze %dma_start3A_75 : memref<1x4096xi32, #tpu.memory_space<hbm>> -> memref<4096xi32, #tpu.memory_space<hbm>>
      tpu.enqueue_dma source(%dma_start3A_76 : memref<4096xi32, #tpu.memory_space<hbm>>) target(%arg7 : memref<4096xi32, #tpu.memory_space<vmem>>) target_semaphore(%arg12 : memref<!tpu.dma_semaphore, #tpu.memory_space<semaphore_mem>>)
      %dma_wait3A_77 = arith.constant 8192 : i32
      %dma_wait3A_78 = tpu.memref_slice %arg2[%scan3A_6, %dma_wait3A_77] : memref<26x16384xi32, #tpu.memory_space<hbm>> -> memref<1x4096xi32, #tpu.memory_space<hbm>>
      %dma_wait3A_79 = tpu.memref_squeeze %dma_wait3A_78 : memref<1x4096xi32, #tpu.memory_space<hbm>> -> memref<4096xi32, #tpu.memory_space<hbm>>
      %dma_wait3A_80 = arith.constant 8192 : i32
      %dma_wait3A_81 = tpu.memref_slice %arg2[%scan3A_6, %dma_wait3A_80] : memref<26x16384xi32, #tpu.memory_space<hbm>> -> memref<1x4096xi32, #tpu.memory_space<hbm>>
      %dma_wait3A_82 = tpu.memref_squeeze %dma_wait3A_81 : memref<1x4096xi32, #tpu.memory_space<hbm>> -> memref<4096xi32, #tpu.memory_space<hbm>>
      tpu.wait_dma2 semaphore(%arg11 : memref<!tpu.dma_semaphore, #tpu.memory_space<semaphore_mem>>) src(%dma_wait3A_82 : memref<4096xi32, #tpu.memory_space<hbm>>) dst(%arg6 : memref<4096xi32, #tpu.memory_space<vmem>>)
      %dma_wait3A_83 = arith.constant 0 : i32
      %dma_wait3A_84 = tpu.memref_slice %arg4[%scan3A_6, %add3A, %dma_wait3A_83] : memref<26x32x16384xf32, #tpu.memory_space<hbm>> -> memref<1x1x4096xf32, #tpu.memory_space<hbm>>
      %dma_wait3A_85 = tpu.memref_squeeze %dma_wait3A_84 : memref<1x1x4096xf32, #tpu.memory_space<hbm>> -> memref<4096xf32, #tpu.memory_space<hbm>>
      %dma_wait3A_86 = arith.constant 0 : i32
      %dma_wait3A_87 = tpu.memref_slice %arg4[%scan3A_6, %add3A, %dma_wait3A_86] : memref<26x32x16384xf32, #tpu.memory_space<hbm>> -> memref<1x1x4096xf32, #tpu.memory_space<hbm>>
      %dma_wait3A_88 = tpu.memref_squeeze %dma_wait3A_87 : memref<1x1x4096xf32, #tpu.memory_space<hbm>> -> memref<4096xf32, #tpu.memory_space<hbm>>
      tpu.wait_dma2 semaphore(%arg13 : memref<!tpu.dma_semaphore, #tpu.memory_space<semaphore_mem>>) src(%arg8 : memref<4096xf32, #tpu.memory_space<vmem>>) dst(%dma_wait3A_88 : memref<4096xf32, #tpu.memory_space<hbm>>)
      %scan3A_89 = arith.constant 0 : i32
      %scan3A_90 = arith.constant 0 : i32
      %scan3A_91 = arith.constant 16 : i32
      %scan3A_92 = arith.addi %scan3A_90, %scan3A_91 : i32
      %scan3A_93 = arith.constant 1 : i32
      scf.for %scan3A_137 = %scan3A_90 to %scan3A_92 step %scan3A_93  : i32 {
        %mul3A_138 = arith.constant 16 : i32
        %mul3A_139 = arith.muli %scan3A_137, %mul3A_138 : i32
        %add3A_140 = arith.constant 0 : i32
        %add3A_141 = arith.addi %mul3A_139, %add3A_140 : i32
        %mul3A_142 = arith.constant 16 : i32
        %mul3A_143 = arith.muli %add3A_141, %mul3A_142 : i32
        %get3A = arith.index_cast %mul3A_143 : i32 to index
        %get3A_144 = tpu.vector_load %arg6[%get3A] {strides = array<i32>} : memref<4096xi32, #tpu.memory_space<vmem>>, vector<16xi32>,
        %gather3A = tpu.vector_load_idx %arg5[%get3A_144] : memref<100001xf32, #tpu.memory_space<vmem>>[vector<16xi32>], vector<16xf32>,
        %mul3A_145 = arith.constant 16 : i32
        %mul3A_146 = arith.muli %scan3A_137, %mul3A_145 : i32
        %add3A_147 = arith.constant 0 : i32
        %add3A_148 = arith.addi %mul3A_146, %add3A_147 : i32
        %mul3A_149 = arith.constant 16 : i32
        %mul3A_150 = arith.muli %add3A_148, %mul3A_149 : i32
        %swap3A = arith.index_cast %mul3A_150 : i32 to index
        %swap3A_151 = tpu.vector_load %arg8[%swap3A] {strides = array<i32>} : memref<4096xf32, #tpu.memory_space<vmem>>, vector<16xf32>,
        tpu.vector_store %arg8[%swap3A], %gather3A {strides = array<i32>} : memref<4096xf32, #tpu.memory_space<vmem>>, vector<16xf32>,
        %mul3A_152 = arith.constant 16 : i32
        %mul3A_153 = arith.muli %scan3A_137, %mul3A_152 : i32
        %add3A_154 = arith.constant 1 : i32
        %add3A_155 = arith.addi %mul3A_153, %add3A_154 : i32
        %mul3A_156 = arith.constant 16 : i32
        %mul3A_157 = arith.muli %add3A_155, %mul3A_156 : i32
        %get3A_158 = arith.index_cast %mul3A_157 : i32 to index
        %get3A_159 = tpu.vector_load %arg6[%get3A_158] {strides = array<i32>} : memref<4096xi32, #tpu.memory_space<vmem>>, vector<16xi32>,
        %gather3A_160 = tpu.vector_load_idx %arg5[%get3A_159] : memref<100001xf32, #tpu.memory_space<vmem>>[vector<16xi32>], vector<16xf32>,
        %mul3A_161 = arith.constant 16 : i32
        %mul3A_162 = arith.muli %scan3A_137, %mul3A_161 : i32
        %add3A_163 = arith.constant 1 : i32
        %add3A_164 = arith.addi %mul3A_162, %add3A_163 : i32
        %mul3A_165 = arith.constant 16 : i32
        %mul3A_166 = arith.muli %add3A_164, %mul3A_165 : i32
        %swap3A_167 = arith.index_cast %mul3A_166 : i32 to index
        %swap3A_168 = tpu.vector_load %arg8[%swap3A_167] {strides = array<i32>} : memref<4096xf32, #tpu.memory_space<vmem>>, vector<16xf32>,
        tpu.vector_store %arg8[%swap3A_167], %gather3A_160 {strides = array<i32>} : memref<4096xf32, #tpu.memory_space<vmem>>, vector<16xf32>,
        %mul3A_169 = arith.constant 16 : i32
        %mul3A_170 = arith.muli %scan3A_137, %mul3A_169 : i32
        %add3A_171 = arith.constant 2 : i32
        %add3A_172 = arith.addi %mul3A_170, %add3A_171 : i32
        %mul3A_173 = arith.constant 16 : i32
        %mul3A_174 = arith.muli %add3A_172, %mul3A_173 : i32
        %get3A_175 = arith.index_cast %mul3A_174 : i32 to index
        %get3A_176 = tpu.vector_load %arg6[%get3A_175] {strides = array<i32>} : memref<4096xi32, #tpu.memory_space<vmem>>, vector<16xi32>,
        %gather3A_177 = tpu.vector_load_idx %arg5[%get3A_176] : memref<100001xf32, #tpu.memory_space<vmem>>[vector<16xi32>], vector<16xf32>,
        %mul3A_178 = arith.constant 16 : i32
        %mul3A_179 = arith.muli %scan3A_137, %mul3A_178 : i32
        %add3A_180 = arith.constant 2 : i32
        %add3A_181 = arith.addi %mul3A_179, %add3A_180 : i32
        %mul3A_182 = arith.constant 16 : i32
        %mul3A_183 = arith.muli %add3A_181, %mul3A_182 : i32
        %swap3A_184 = arith.index_cast %mul3A_183 : i32 to index
        %swap3A_185 = tpu.vector_load %arg8[%swap3A_184] {strides = array<i32>} : memref<4096xf32, #tpu.memory_space<vmem>>, vector<16xf32>,
        tpu.vector_store %arg8[%swap3A_184], %gather3A_177 {strides = array<i32>} : memref<4096xf32, #tpu.memory_space<vmem>>, vector<16xf32>,
        %mul3A_186 = arith.constant 16 : i32
        %mul3A_187 = arith.muli %scan3A_137, %mul3A_186 : i32
        %add3A_188 = arith.constant 3 : i32
        %add3A_189 = arith.addi %mul3A_187, %add3A_188 : i32
        %mul3A_190 = arith.constant 16 : i32
        %mul3A_191 = arith.muli %add3A_189, %mul3A_190 : i32
        %get3A_192 = arith.index_cast %mul3A_191 : i32 to index
        %get3A_193 = tpu.vector_load %arg6[%get3A_192] {strides = array<i32>} : memref<4096xi32, #tpu.memory_space<vmem>>, vector<16xi32>,
        %gather3A_194 = tpu.vector_load_idx %arg5[%get3A_193] : memref<100001xf32, #tpu.memory_space<vmem>>[vector<16xi32>], vector<16xf32>,
        %mul3A_195 = arith.constant 16 : i32
        %mul3A_196 = arith.muli %scan3A_137, %mul3A_195 : i32
        %add3A_197 = arith.constant 3 : i32
        %add3A_198 = arith.addi %mul3A_196, %add3A_197 : i32
        %mul3A_199 = arith.constant 16 : i32
        %mul3A_200 = arith.muli %add3A_198, %mul3A_199 : i32
        %swap3A_201 = arith.index_cast %mul3A_200 : i32 to index
        %swap3A_202 = tpu.vector_load %arg8[%swap3A_201] {strides = array<i32>} : memref<4096xf32, #tpu.memory_space<vmem>>, vector<16xf32>,
        tpu.vector_store %arg8[%swap3A_201], %gather3A_194 {strides = array<i32>} : memref<4096xf32, #tpu.memory_space<vmem>>, vector<16xf32>,
        %mul3A_203 = arith.constant 16 : i32
        %mul3A_204 = arith.muli %scan3A_137, %mul3A_203 : i32
        %add3A_205 = arith.constant 4 : i32
        %add3A_206 = arith.addi %mul3A_204, %add3A_205 : i32
        %mul3A_207 = arith.constant 16 : i32
        %mul3A_208 = arith.muli %add3A_206, %mul3A_207 : i32
        %get3A_209 = arith.index_cast %mul3A_208 : i32 to index
        %get3A_210 = tpu.vector_load %arg6[%get3A_209] {strides = array<i32>} : memref<4096xi32, #tpu.memory_space<vmem>>, vector<16xi32>,
        %gather3A_211 = tpu.vector_load_idx %arg5[%get3A_210] : memref<100001xf32, #tpu.memory_space<vmem>>[vector<16xi32>], vector<16xf32>,
        %mul3A_212 = arith.constant 16 : i32
        %mul3A_213 = arith.muli %scan3A_137, %mul3A_212 : i32
        %add3A_214 = arith.constant 4 : i32
        %add3A_215 = arith.addi %mul3A_213, %add3A_214 : i32
        %mul3A_216 = arith.constant 16 : i32
        %mul3A_217 = arith.muli %add3A_215, %mul3A_216 : i32
        %swap3A_218 = arith.index_cast %mul3A_217 : i32 to index
        %swap3A_219 = tpu.vector_load %arg8[%swap3A_218] {strides = array<i32>} : memref<4096xf32, #tpu.memory_space<vmem>>, vector<16xf32>,
        tpu.vector_store %arg8[%swap3A_218], %gather3A_211 {strides = array<i32>} : memref<4096xf32, #tpu.memory_space<vmem>>, vector<16xf32>,
        %mul3A_220 = arith.constant 16 : i32
        %mul3A_221 = arith.muli %scan3A_137, %mul3A_220 : i32
        %add3A_222 = arith.constant 5 : i32
        %add3A_223 = arith.addi %mul3A_221, %add3A_222 : i32
        %mul3A_224 = arith.constant 16 : i32
        %mul3A_225 = arith.muli %add3A_223, %mul3A_224 : i32
        %get3A_226 = arith.index_cast %mul3A_225 : i32 to index
        %get3A_227 = tpu.vector_load %arg6[%get3A_226] {strides = array<i32>} : memref<4096xi32, #tpu.memory_space<vmem>>, vector<16xi32>,
        %gather3A_228 = tpu.vector_load_idx %arg5[%get3A_227] : memref<100001xf32, #tpu.memory_space<vmem>>[vector<16xi32>], vector<16xf32>,
        %mul3A_229 = arith.constant 16 : i32
        %mul3A_230 = arith.muli %scan3A_137, %mul3A_229 : i32
        %add3A_231 = arith.constant 5 : i32
        %add3A_232 = arith.addi %mul3A_230, %add3A_231 : i32
        %mul3A_233 = arith.constant 16 : i32
        %mul3A_234 = arith.muli %add3A_232, %mul3A_233 : i32
        %swap3A_235 = arith.index_cast %mul3A_234 : i32 to index
        %swap3A_236 = tpu.vector_load %arg8[%swap3A_235] {strides = array<i32>} : memref<4096xf32, #tpu.memory_space<vmem>>, vector<16xf32>,
        tpu.vector_store %arg8[%swap3A_235], %gather3A_228 {strides = array<i32>} : memref<4096xf32, #tpu.memory_space<vmem>>, vector<16xf32>,
        %mul3A_237 = arith.constant 16 : i32
        %mul3A_238 = arith.muli %scan3A_137, %mul3A_237 : i32
        %add3A_239 = arith.constant 6 : i32
        %add3A_240 = arith.addi %mul3A_238, %add3A_239 : i32
        %mul3A_241 = arith.constant 16 : i32
        %mul3A_242 = arith.muli %add3A_240, %mul3A_241 : i32
        %get3A_243 = arith.index_cast %mul3A_242 : i32 to index
        %get3A_244 = tpu.vector_load %arg6[%get3A_243] {strides = array<i32>} : memref<4096xi32, #tpu.memory_space<vmem>>, vector<16xi32>,
        %gather3A_245 = tpu.vector_load_idx %arg5[%get3A_244] : memref<100001xf32, #tpu.memory_space<vmem>>[vector<16xi32>], vector<16xf32>,
        %mul3A_246 = arith.constant 16 : i32
        %mul3A_247 = arith.muli %scan3A_137, %mul3A_246 : i32
        %add3A_248 = arith.constant 6 : i32
        %add3A_249 = arith.addi %mul3A_247, %add3A_248 : i32
        %mul3A_250 = arith.constant 16 : i32
        %mul3A_251 = arith.muli %add3A_249, %mul3A_250 : i32
        %swap3A_252 = arith.index_cast %mul3A_251 : i32 to index
        %swap3A_253 = tpu.vector_load %arg8[%swap3A_252] {strides = array<i32>} : memref<4096xf32, #tpu.memory_space<vmem>>, vector<16xf32>,
        tpu.vector_store %arg8[%swap3A_252], %gather3A_245 {strides = array<i32>} : memref<4096xf32, #tpu.memory_space<vmem>>, vector<16xf32>,
        %mul3A_254 = arith.constant 16 : i32
        %mul3A_255 = arith.muli %scan3A_137, %mul3A_254 : i32
        %add3A_256 = arith.constant 7 : i32
        %add3A_257 = arith.addi %mul3A_255, %add3A_256 : i32
        %mul3A_258 = arith.constant 16 : i32
        %mul3A_259 = arith.muli %add3A_257, %mul3A_258 : i32
        %get3A_260 = arith.index_cast %mul3A_259 : i32 to index
        %get3A_261 = tpu.vector_load %arg6[%get3A_260] {strides = array<i32>} : memref<4096xi32, #tpu.memory_space<vmem>>, vector<16xi32>,
        %gather3A_262 = tpu.vector_load_idx %arg5[%get3A_261] : memref<100001xf32, #tpu.memory_space<vmem>>[vector<16xi32>], vector<16xf32>,
        %mul3A_263 = arith.constant 16 : i32
        %mul3A_264 = arith.muli %scan3A_137, %mul3A_263 : i32
        %add3A_265 = arith.constant 7 : i32
        %add3A_266 = arith.addi %mul3A_264, %add3A_265 : i32
        %mul3A_267 = arith.constant 16 : i32
        %mul3A_268 = arith.muli %add3A_266, %mul3A_267 : i32
        %swap3A_269 = arith.index_cast %mul3A_268 : i32 to index
        %swap3A_270 = tpu.vector_load %arg8[%swap3A_269] {strides = array<i32>} : memref<4096xf32, #tpu.memory_space<vmem>>, vector<16xf32>,
        tpu.vector_store %arg8[%swap3A_269], %gather3A_262 {strides = array<i32>} : memref<4096xf32, #tpu.memory_space<vmem>>, vector<16xf32>,
        %mul3A_271 = arith.constant 16 : i32
        %mul3A_272 = arith.muli %scan3A_137, %mul3A_271 : i32
        %add3A_273 = arith.constant 8 : i32
        %add3A_274 = arith.addi %mul3A_272, %add3A_273 : i32
        %mul3A_275 = arith.constant 16 : i32
        %mul3A_276 = arith.muli %add3A_274, %mul3A_275 : i32
        %get3A_277 = arith.index_cast %mul3A_276 : i32 to index
        %get3A_278 = tpu.vector_load %arg6[%get3A_277] {strides = array<i32>} : memref<4096xi32, #tpu.memory_space<vmem>>, vector<16xi32>,
        %gather3A_279 = tpu.vector_load_idx %arg5[%get3A_278] : memref<100001xf32, #tpu.memory_space<vmem>>[vector<16xi32>], vector<16xf32>,
        %mul3A_280 = arith.constant 16 : i32
        %mul3A_281 = arith.muli %scan3A_137, %mul3A_280 : i32
        %add3A_282 = arith.constant 8 : i32
        %add3A_283 = arith.addi %mul3A_281, %add3A_282 : i32
        %mul3A_284 = arith.constant 16 : i32
        %mul3A_285 = arith.muli %add3A_283, %mul3A_284 : i32
        %swap3A_286 = arith.index_cast %mul3A_285 : i32 to index
        %swap3A_287 = tpu.vector_load %arg8[%swap3A_286] {strides = array<i32>} : memref<4096xf32, #tpu.memory_space<vmem>>, vector<16xf32>,
        tpu.vector_store %arg8[%swap3A_286], %gather3A_279 {strides = array<i32>} : memref<4096xf32, #tpu.memory_space<vmem>>, vector<16xf32>,
        %mul3A_288 = arith.constant 16 : i32
        %mul3A_289 = arith.muli %scan3A_137, %mul3A_288 : i32
        %add3A_290 = arith.constant 9 : i32
        %add3A_291 = arith.addi %mul3A_289, %add3A_290 : i32
        %mul3A_292 = arith.constant 16 : i32
        %mul3A_293 = arith.muli %add3A_291, %mul3A_292 : i32
        %get3A_294 = arith.index_cast %mul3A_293 : i32 to index
        %get3A_295 = tpu.vector_load %arg6[%get3A_294] {strides = array<i32>} : memref<4096xi32, #tpu.memory_space<vmem>>, vector<16xi32>,
        %gather3A_296 = tpu.vector_load_idx %arg5[%get3A_295] : memref<100001xf32, #tpu.memory_space<vmem>>[vector<16xi32>], vector<16xf32>,
        %mul3A_297 = arith.constant 16 : i32
        %mul3A_298 = arith.muli %scan3A_137, %mul3A_297 : i32
        %add3A_299 = arith.constant 9 : i32
        %add3A_300 = arith.addi %mul3A_298, %add3A_299 : i32
        %mul3A_301 = arith.constant 16 : i32
        %mul3A_302 = arith.muli %add3A_300, %mul3A_301 : i32
        %swap3A_303 = arith.index_cast %mul3A_302 : i32 to index
        %swap3A_304 = tpu.vector_load %arg8[%swap3A_303] {strides = array<i32>} : memref<4096xf32, #tpu.memory_space<vmem>>, vector<16xf32>,
        tpu.vector_store %arg8[%swap3A_303], %gather3A_296 {strides = array<i32>} : memref<4096xf32, #tpu.memory_space<vmem>>, vector<16xf32>,
        %mul3A_305 = arith.constant 16 : i32
        %mul3A_306 = arith.muli %scan3A_137, %mul3A_305 : i32
        %add3A_307 = arith.constant 10 : i32
        %add3A_308 = arith.addi %mul3A_306, %add3A_307 : i32
        %mul3A_309 = arith.constant 16 : i32
        %mul3A_310 = arith.muli %add3A_308, %mul3A_309 : i32
        %get3A_311 = arith.index_cast %mul3A_310 : i32 to index
        %get3A_312 = tpu.vector_load %arg6[%get3A_311] {strides = array<i32>} : memref<4096xi32, #tpu.memory_space<vmem>>, vector<16xi32>,
        %gather3A_313 = tpu.vector_load_idx %arg5[%get3A_312] : memref<100001xf32, #tpu.memory_space<vmem>>[vector<16xi32>], vector<16xf32>,
        %mul3A_314 = arith.constant 16 : i32
        %mul3A_315 = arith.muli %scan3A_137, %mul3A_314 : i32
        %add3A_316 = arith.constant 10 : i32
        %add3A_317 = arith.addi %mul3A_315, %add3A_316 : i32
        %mul3A_318 = arith.constant 16 : i32
        %mul3A_319 = arith.muli %add3A_317, %mul3A_318 : i32
        %swap3A_320 = arith.index_cast %mul3A_319 : i32 to index
        %swap3A_321 = tpu.vector_load %arg8[%swap3A_320] {strides = array<i32>} : memref<4096xf32, #tpu.memory_space<vmem>>, vector<16xf32>,
        tpu.vector_store %arg8[%swap3A_320], %gather3A_313 {strides = array<i32>} : memref<4096xf32, #tpu.memory_space<vmem>>, vector<16xf32>,
        %mul3A_322 = arith.constant 16 : i32
        %mul3A_323 = arith.muli %scan3A_137, %mul3A_322 : i32
        %add3A_324 = arith.constant 11 : i32
        %add3A_325 = arith.addi %mul3A_323, %add3A_324 : i32
        %mul3A_326 = arith.constant 16 : i32
        %mul3A_327 = arith.muli %add3A_325, %mul3A_326 : i32
        %get3A_328 = arith.index_cast %mul3A_327 : i32 to index
        %get3A_329 = tpu.vector_load %arg6[%get3A_328] {strides = array<i32>} : memref<4096xi32, #tpu.memory_space<vmem>>, vector<16xi32>,
        %gather3A_330 = tpu.vector_load_idx %arg5[%get3A_329] : memref<100001xf32, #tpu.memory_space<vmem>>[vector<16xi32>], vector<16xf32>,
        %mul3A_331 = arith.constant 16 : i32
        %mul3A_332 = arith.muli %scan3A_137, %mul3A_331 : i32
        %add3A_333 = arith.constant 11 : i32
        %add3A_334 = arith.addi %mul3A_332, %add3A_333 : i32
        %mul3A_335 = arith.constant 16 : i32
        %mul3A_336 = arith.muli %add3A_334, %mul3A_335 : i32
        %swap3A_337 = arith.index_cast %mul3A_336 : i32 to index
        %swap3A_338 = tpu.vector_load %arg8[%swap3A_337] {strides = array<i32>} : memref<4096xf32, #tpu.memory_space<vmem>>, vector<16xf32>,
        tpu.vector_store %arg8[%swap3A_337], %gather3A_330 {strides = array<i32>} : memref<4096xf32, #tpu.memory_space<vmem>>, vector<16xf32>,
        %mul3A_339 = arith.constant 16 : i32
        %mul3A_340 = arith.muli %scan3A_137, %mul3A_339 : i32
        %add3A_341 = arith.constant 12 : i32
        %add3A_342 = arith.addi %mul3A_340, %add3A_341 : i32
        %mul3A_343 = arith.constant 16 : i32
        %mul3A_344 = arith.muli %add3A_342, %mul3A_343 : i32
        %get3A_345 = arith.index_cast %mul3A_344 : i32 to index
        %get3A_346 = tpu.vector_load %arg6[%get3A_345] {strides = array<i32>} : memref<4096xi32, #tpu.memory_space<vmem>>, vector<16xi32>,
        %gather3A_347 = tpu.vector_load_idx %arg5[%get3A_346] : memref<100001xf32, #tpu.memory_space<vmem>>[vector<16xi32>], vector<16xf32>,
        %mul3A_348 = arith.constant 16 : i32
        %mul3A_349 = arith.muli %scan3A_137, %mul3A_348 : i32
        %add3A_350 = arith.constant 12 : i32
        %add3A_351 = arith.addi %mul3A_349, %add3A_350 : i32
        %mul3A_352 = arith.constant 16 : i32
        %mul3A_353 = arith.muli %add3A_351, %mul3A_352 : i32
        %swap3A_354 = arith.index_cast %mul3A_353 : i32 to index
        %swap3A_355 = tpu.vector_load %arg8[%swap3A_354] {strides = array<i32>} : memref<4096xf32, #tpu.memory_space<vmem>>, vector<16xf32>,
        tpu.vector_store %arg8[%swap3A_354], %gather3A_347 {strides = array<i32>} : memref<4096xf32, #tpu.memory_space<vmem>>, vector<16xf32>,
        %mul3A_356 = arith.constant 16 : i32
        %mul3A_357 = arith.muli %scan3A_137, %mul3A_356 : i32
        %add3A_358 = arith.constant 13 : i32
        %add3A_359 = arith.addi %mul3A_357, %add3A_358 : i32
        %mul3A_360 = arith.constant 16 : i32
        %mul3A_361 = arith.muli %add3A_359, %mul3A_360 : i32
        %get3A_362 = arith.index_cast %mul3A_361 : i32 to index
        %get3A_363 = tpu.vector_load %arg6[%get3A_362] {strides = array<i32>} : memref<4096xi32, #tpu.memory_space<vmem>>, vector<16xi32>,
        %gather3A_364 = tpu.vector_load_idx %arg5[%get3A_363] : memref<100001xf32, #tpu.memory_space<vmem>>[vector<16xi32>], vector<16xf32>,
        %mul3A_365 = arith.constant 16 : i32
        %mul3A_366 = arith.muli %scan3A_137, %mul3A_365 : i32
        %add3A_367 = arith.constant 13 : i32
        %add3A_368 = arith.addi %mul3A_366, %add3A_367 : i32
        %mul3A_369 = arith.constant 16 : i32
        %mul3A_370 = arith.muli %add3A_368, %mul3A_369 : i32
        %swap3A_371 = arith.index_cast %mul3A_370 : i32 to index
        %swap3A_372 = tpu.vector_load %arg8[%swap3A_371] {strides = array<i32>} : memref<4096xf32, #tpu.memory_space<vmem>>, vector<16xf32>,
        tpu.vector_store %arg8[%swap3A_371], %gather3A_364 {strides = array<i32>} : memref<4096xf32, #tpu.memory_space<vmem>>, vector<16xf32>,
        %mul3A_373 = arith.constant 16 : i32
        %mul3A_374 = arith.muli %scan3A_137, %mul3A_373 : i32
        %add3A_375 = arith.constant 14 : i32
        %add3A_376 = arith.addi %mul3A_374, %add3A_375 : i32
        %mul3A_377 = arith.constant 16 : i32
        %mul3A_378 = arith.muli %add3A_376, %mul3A_377 : i32
        %get3A_379 = arith.index_cast %mul3A_378 : i32 to index
        %get3A_380 = tpu.vector_load %arg6[%get3A_379] {strides = array<i32>} : memref<4096xi32, #tpu.memory_space<vmem>>, vector<16xi32>,
        %gather3A_381 = tpu.vector_load_idx %arg5[%get3A_380] : memref<100001xf32, #tpu.memory_space<vmem>>[vector<16xi32>], vector<16xf32>,
        %mul3A_382 = arith.constant 16 : i32
        %mul3A_383 = arith.muli %scan3A_137, %mul3A_382 : i32
        %add3A_384 = arith.constant 14 : i32
        %add3A_385 = arith.addi %mul3A_383, %add3A_384 : i32
        %mul3A_386 = arith.constant 16 : i32
        %mul3A_387 = arith.muli %add3A_385, %mul3A_386 : i32
        %swap3A_388 = arith.index_cast %mul3A_387 : i32 to index
        %swap3A_389 = tpu.vector_load %arg8[%swap3A_388] {strides = array<i32>} : memref<4096xf32, #tpu.memory_space<vmem>>, vector<16xf32>,
        tpu.vector_store %arg8[%swap3A_388], %gather3A_381 {strides = array<i32>} : memref<4096xf32, #tpu.memory_space<vmem>>, vector<16xf32>,
        %mul3A_390 = arith.constant 16 : i32
        %mul3A_391 = arith.muli %scan3A_137, %mul3A_390 : i32
        %add3A_392 = arith.constant 15 : i32
        %add3A_393 = arith.addi %mul3A_391, %add3A_392 : i32
        %mul3A_394 = arith.constant 16 : i32
        %mul3A_395 = arith.muli %add3A_393, %mul3A_394 : i32
        %get3A_396 = arith.index_cast %mul3A_395 : i32 to index
        %get3A_397 = tpu.vector_load %arg6[%get3A_396] {strides = array<i32>} : memref<4096xi32, #tpu.memory_space<vmem>>, vector<16xi32>,
        %gather3A_398 = tpu.vector_load_idx %arg5[%get3A_397] : memref<100001xf32, #tpu.memory_space<vmem>>[vector<16xi32>], vector<16xf32>,
        %mul3A_399 = arith.constant 16 : i32
        %mul3A_400 = arith.muli %scan3A_137, %mul3A_399 : i32
        %add3A_401 = arith.constant 15 : i32
        %add3A_402 = arith.addi %mul3A_400, %add3A_401 : i32
        %mul3A_403 = arith.constant 16 : i32
        %mul3A_404 = arith.muli %add3A_402, %mul3A_403 : i32
        %swap3A_405 = arith.index_cast %mul3A_404 : i32 to index
        %swap3A_406 = tpu.vector_load %arg8[%swap3A_405] {strides = array<i32>} : memref<4096xf32, #tpu.memory_space<vmem>>, vector<16xf32>,
        tpu.vector_store %arg8[%swap3A_405], %gather3A_398 {strides = array<i32>} : memref<4096xf32, #tpu.memory_space<vmem>>, vector<16xf32>,
      }
      %scan3A_94 = arith.constant 16 : i32
      %dma_start3A_95 = arith.constant 8192 : i32
      %dma_start3A_96 = tpu.memref_slice %arg4[%scan3A_6, %add3A, %dma_start3A_95] : memref<26x32x16384xf32, #tpu.memory_space<hbm>> -> memref<1x1x4096xf32, #tpu.memory_space<hbm>>
      %dma_start3A_97 = tpu.memref_squeeze %dma_start3A_96 : memref<1x1x4096xf32, #tpu.memory_space<hbm>> -> memref<4096xf32, #tpu.memory_space<hbm>>
      %dma_start3A_98 = arith.constant 8192 : i32
      %dma_start3A_99 = tpu.memref_slice %arg4[%scan3A_6, %add3A, %dma_start3A_98] : memref<26x32x16384xf32, #tpu.memory_space<hbm>> -> memref<1x1x4096xf32, #tpu.memory_space<hbm>>
      %dma_start3A_100 = tpu.memref_squeeze %dma_start3A_99 : memref<1x1x4096xf32, #tpu.memory_space<hbm>> -> memref<4096xf32, #tpu.memory_space<hbm>>
      tpu.enqueue_dma source(%arg8 : memref<4096xf32, #tpu.memory_space<vmem>>) target(%dma_start3A_100 : memref<4096xf32, #tpu.memory_space<hbm>>) target_semaphore(%arg13 : memref<!tpu.dma_semaphore, #tpu.memory_space<semaphore_mem>>)
      %dma_wait3A_101 = arith.constant 12288 : i32
      %dma_wait3A_102 = tpu.memref_slice %arg2[%scan3A_6, %dma_wait3A_101] : memref<26x16384xi32, #tpu.memory_space<hbm>> -> memref<1x4096xi32, #tpu.memory_space<hbm>>
      %dma_wait3A_103 = tpu.memref_squeeze %dma_wait3A_102 : memref<1x4096xi32, #tpu.memory_space<hbm>> -> memref<4096xi32, #tpu.memory_space<hbm>>
      %dma_wait3A_104 = arith.constant 12288 : i32
      %dma_wait3A_105 = tpu.memref_slice %arg2[%scan3A_6, %dma_wait3A_104] : memref<26x16384xi32, #tpu.memory_space<hbm>> -> memref<1x4096xi32, #tpu.memory_space<hbm>>
      %dma_wait3A_106 = tpu.memref_squeeze %dma_wait3A_105 : memref<1x4096xi32, #tpu.memory_space<hbm>> -> memref<4096xi32, #tpu.memory_space<hbm>>
      tpu.wait_dma2 semaphore(%arg12 : memref<!tpu.dma_semaphore, #tpu.memory_space<semaphore_mem>>) src(%dma_wait3A_106 : memref<4096xi32, #tpu.memory_space<hbm>>) dst(%arg7 : memref<4096xi32, #tpu.memory_space<vmem>>)
      %dma_wait3A_107 = arith.constant 4096 : i32
      %dma_wait3A_108 = tpu.memref_slice %arg4[%scan3A_6, %add3A, %dma_wait3A_107] : memref<26x32x16384xf32, #tpu.memory_space<hbm>> -> memref<1x1x4096xf32, #tpu.memory_space<hbm>>
      %dma_wait3A_109 = tpu.memref_squeeze %dma_wait3A_108 : memref<1x1x4096xf32, #tpu.memory_space<hbm>> -> memref<4096xf32, #tpu.memory_space<hbm>>
      %dma_wait3A_110 = arith.constant 4096 : i32
      %dma_wait3A_111 = tpu.memref_slice %arg4[%scan3A_6, %add3A, %dma_wait3A_110] : memref<26x32x16384xf32, #tpu.memory_space<hbm>> -> memref<1x1x4096xf32, #tpu.memory_space<hbm>>
      %dma_wait3A_112 = tpu.memref_squeeze %dma_wait3A_111 : memref<1x1x4096xf32, #tpu.memory_space<hbm>> -> memref<4096xf32, #tpu.memory_space<hbm>>
      tpu.wait_dma2 semaphore(%arg14 : memref<!tpu.dma_semaphore, #tpu.memory_space<semaphore_mem>>) src(%arg9 : memref<4096xf32, #tpu.memory_space<vmem>>) dst(%dma_wait3A_112 : memref<4096xf32, #tpu.memory_space<hbm>>)
      %scan3A_113 = arith.constant 0 : i32
      %scan3A_114 = arith.constant 0 : i32
      %scan3A_115 = arith.constant 16 : i32
      %scan3A_116 = arith.addi %scan3A_114, %scan3A_115 : i32
      %scan3A_117 = arith.constant 1 : i32
      scf.for %scan3A_137 = %scan3A_114 to %scan3A_116 step %scan3A_117  : i32 {
        %mul3A_138 = arith.constant 16 : i32
        %mul3A_139 = arith.muli %scan3A_137, %mul3A_138 : i32
        %add3A_140 = arith.constant 0 : i32
        %add3A_141 = arith.addi %mul3A_139, %add3A_140 : i32
        %mul3A_142 = arith.constant 16 : i32
        %mul3A_143 = arith.muli %add3A_141, %mul3A_142 : i32
        %get3A = arith.index_cast %mul3A_143 : i32 to index
        %get3A_144 = tpu.vector_load %arg7[%get3A] {strides = array<i32>} : memref<4096xi32, #tpu.memory_space<vmem>>, vector<16xi32>,
        %gather3A = tpu.vector_load_idx %arg5[%get3A_144] : memref<100001xf32, #tpu.memory_space<vmem>>[vector<16xi32>], vector<16xf32>,
        %mul3A_145 = arith.constant 16 : i32
        %mul3A_146 = arith.muli %scan3A_137, %mul3A_145 : i32
        %add3A_147 = arith.constant 0 : i32
        %add3A_148 = arith.addi %mul3A_146, %add3A_147 : i32
        %mul3A_149 = arith.constant 16 : i32
        %mul3A_150 = arith.muli %add3A_148, %mul3A_149 : i32
        %swap3A = arith.index_cast %mul3A_150 : i32 to index
        %swap3A_151 = tpu.vector_load %arg9[%swap3A] {strides = array<i32>} : memref<4096xf32, #tpu.memory_space<vmem>>, vector<16xf32>,
        tpu.vector_store %arg9[%swap3A], %gather3A {strides = array<i32>} : memref<4096xf32, #tpu.memory_space<vmem>>, vector<16xf32>,
        %mul3A_152 = arith.constant 16 : i32
        %mul3A_153 = arith.muli %scan3A_137, %mul3A_152 : i32
        %add3A_154 = arith.constant 1 : i32
        %add3A_155 = arith.addi %mul3A_153, %add3A_154 : i32
        %mul3A_156 = arith.constant 16 : i32
        %mul3A_157 = arith.muli %add3A_155, %mul3A_156 : i32
        %get3A_158 = arith.index_cast %mul3A_157 : i32 to index
        %get3A_159 = tpu.vector_load %arg7[%get3A_158] {strides = array<i32>} : memref<4096xi32, #tpu.memory_space<vmem>>, vector<16xi32>,
        %gather3A_160 = tpu.vector_load_idx %arg5[%get3A_159] : memref<100001xf32, #tpu.memory_space<vmem>>[vector<16xi32>], vector<16xf32>,
        %mul3A_161 = arith.constant 16 : i32
        %mul3A_162 = arith.muli %scan3A_137, %mul3A_161 : i32
        %add3A_163 = arith.constant 1 : i32
        %add3A_164 = arith.addi %mul3A_162, %add3A_163 : i32
        %mul3A_165 = arith.constant 16 : i32
        %mul3A_166 = arith.muli %add3A_164, %mul3A_165 : i32
        %swap3A_167 = arith.index_cast %mul3A_166 : i32 to index
        %swap3A_168 = tpu.vector_load %arg9[%swap3A_167] {strides = array<i32>} : memref<4096xf32, #tpu.memory_space<vmem>>, vector<16xf32>,
        tpu.vector_store %arg9[%swap3A_167], %gather3A_160 {strides = array<i32>} : memref<4096xf32, #tpu.memory_space<vmem>>, vector<16xf32>,
        %mul3A_169 = arith.constant 16 : i32
        %mul3A_170 = arith.muli %scan3A_137, %mul3A_169 : i32
        %add3A_171 = arith.constant 2 : i32
        %add3A_172 = arith.addi %mul3A_170, %add3A_171 : i32
        %mul3A_173 = arith.constant 16 : i32
        %mul3A_174 = arith.muli %add3A_172, %mul3A_173 : i32
        %get3A_175 = arith.index_cast %mul3A_174 : i32 to index
        %get3A_176 = tpu.vector_load %arg7[%get3A_175] {strides = array<i32>} : memref<4096xi32, #tpu.memory_space<vmem>>, vector<16xi32>,
        %gather3A_177 = tpu.vector_load_idx %arg5[%get3A_176] : memref<100001xf32, #tpu.memory_space<vmem>>[vector<16xi32>], vector<16xf32>,
        %mul3A_178 = arith.constant 16 : i32
        %mul3A_179 = arith.muli %scan3A_137, %mul3A_178 : i32
        %add3A_180 = arith.constant 2 : i32
        %add3A_181 = arith.addi %mul3A_179, %add3A_180 : i32
        %mul3A_182 = arith.constant 16 : i32
        %mul3A_183 = arith.muli %add3A_181, %mul3A_182 : i32
        %swap3A_184 = arith.index_cast %mul3A_183 : i32 to index
        %swap3A_185 = tpu.vector_load %arg9[%swap3A_184] {strides = array<i32>} : memref<4096xf32, #tpu.memory_space<vmem>>, vector<16xf32>,
        tpu.vector_store %arg9[%swap3A_184], %gather3A_177 {strides = array<i32>} : memref<4096xf32, #tpu.memory_space<vmem>>, vector<16xf32>,
        %mul3A_186 = arith.constant 16 : i32
        %mul3A_187 = arith.muli %scan3A_137, %mul3A_186 : i32
        %add3A_188 = arith.constant 3 : i32
        %add3A_189 = arith.addi %mul3A_187, %add3A_188 : i32
        %mul3A_190 = arith.constant 16 : i32
        %mul3A_191 = arith.muli %add3A_189, %mul3A_190 : i32
        %get3A_192 = arith.index_cast %mul3A_191 : i32 to index
        %get3A_193 = tpu.vector_load %arg7[%get3A_192] {strides = array<i32>} : memref<4096xi32, #tpu.memory_space<vmem>>, vector<16xi32>,
        %gather3A_194 = tpu.vector_load_idx %arg5[%get3A_193] : memref<100001xf32, #tpu.memory_space<vmem>>[vector<16xi32>], vector<16xf32>,
        %mul3A_195 = arith.constant 16 : i32
        %mul3A_196 = arith.muli %scan3A_137, %mul3A_195 : i32
        %add3A_197 = arith.constant 3 : i32
        %add3A_198 = arith.addi %mul3A_196, %add3A_197 : i32
        %mul3A_199 = arith.constant 16 : i32
        %mul3A_200 = arith.muli %add3A_198, %mul3A_199 : i32
        %swap3A_201 = arith.index_cast %mul3A_200 : i32 to index
        %swap3A_202 = tpu.vector_load %arg9[%swap3A_201] {strides = array<i32>} : memref<4096xf32, #tpu.memory_space<vmem>>, vector<16xf32>,
        tpu.vector_store %arg9[%swap3A_201], %gather3A_194 {strides = array<i32>} : memref<4096xf32, #tpu.memory_space<vmem>>, vector<16xf32>,
        %mul3A_203 = arith.constant 16 : i32
        %mul3A_204 = arith.muli %scan3A_137, %mul3A_203 : i32
        %add3A_205 = arith.constant 4 : i32
        %add3A_206 = arith.addi %mul3A_204, %add3A_205 : i32
        %mul3A_207 = arith.constant 16 : i32
        %mul3A_208 = arith.muli %add3A_206, %mul3A_207 : i32
        %get3A_209 = arith.index_cast %mul3A_208 : i32 to index
        %get3A_210 = tpu.vector_load %arg7[%get3A_209] {strides = array<i32>} : memref<4096xi32, #tpu.memory_space<vmem>>, vector<16xi32>,
        %gather3A_211 = tpu.vector_load_idx %arg5[%get3A_210] : memref<100001xf32, #tpu.memory_space<vmem>>[vector<16xi32>], vector<16xf32>,
        %mul3A_212 = arith.constant 16 : i32
        %mul3A_213 = arith.muli %scan3A_137, %mul3A_212 : i32
        %add3A_214 = arith.constant 4 : i32
        %add3A_215 = arith.addi %mul3A_213, %add3A_214 : i32
        %mul3A_216 = arith.constant 16 : i32
        %mul3A_217 = arith.muli %add3A_215, %mul3A_216 : i32
        %swap3A_218 = arith.index_cast %mul3A_217 : i32 to index
        %swap3A_219 = tpu.vector_load %arg9[%swap3A_218] {strides = array<i32>} : memref<4096xf32, #tpu.memory_space<vmem>>, vector<16xf32>,
        tpu.vector_store %arg9[%swap3A_218], %gather3A_211 {strides = array<i32>} : memref<4096xf32, #tpu.memory_space<vmem>>, vector<16xf32>,
        %mul3A_220 = arith.constant 16 : i32
        %mul3A_221 = arith.muli %scan3A_137, %mul3A_220 : i32
        %add3A_222 = arith.constant 5 : i32
        %add3A_223 = arith.addi %mul3A_221, %add3A_222 : i32
        %mul3A_224 = arith.constant 16 : i32
        %mul3A_225 = arith.muli %add3A_223, %mul3A_224 : i32
        %get3A_226 = arith.index_cast %mul3A_225 : i32 to index
        %get3A_227 = tpu.vector_load %arg7[%get3A_226] {strides = array<i32>} : memref<4096xi32, #tpu.memory_space<vmem>>, vector<16xi32>,
        %gather3A_228 = tpu.vector_load_idx %arg5[%get3A_227] : memref<100001xf32, #tpu.memory_space<vmem>>[vector<16xi32>], vector<16xf32>,
        %mul3A_229 = arith.constant 16 : i32
        %mul3A_230 = arith.muli %scan3A_137, %mul3A_229 : i32
        %add3A_231 = arith.constant 5 : i32
        %add3A_232 = arith.addi %mul3A_230, %add3A_231 : i32
        %mul3A_233 = arith.constant 16 : i32
        %mul3A_234 = arith.muli %add3A_232, %mul3A_233 : i32
        %swap3A_235 = arith.index_cast %mul3A_234 : i32 to index
        %swap3A_236 = tpu.vector_load %arg9[%swap3A_235] {strides = array<i32>} : memref<4096xf32, #tpu.memory_space<vmem>>, vector<16xf32>,
        tpu.vector_store %arg9[%swap3A_235], %gather3A_228 {strides = array<i32>} : memref<4096xf32, #tpu.memory_space<vmem>>, vector<16xf32>,
        %mul3A_237 = arith.constant 16 : i32
        %mul3A_238 = arith.muli %scan3A_137, %mul3A_237 : i32
        %add3A_239 = arith.constant 6 : i32
        %add3A_240 = arith.addi %mul3A_238, %add3A_239 : i32
        %mul3A_241 = arith.constant 16 : i32
        %mul3A_242 = arith.muli %add3A_240, %mul3A_241 : i32
        %get3A_243 = arith.index_cast %mul3A_242 : i32 to index
        %get3A_244 = tpu.vector_load %arg7[%get3A_243] {strides = array<i32>} : memref<4096xi32, #tpu.memory_space<vmem>>, vector<16xi32>,
        %gather3A_245 = tpu.vector_load_idx %arg5[%get3A_244] : memref<100001xf32, #tpu.memory_space<vmem>>[vector<16xi32>], vector<16xf32>,
        %mul3A_246 = arith.constant 16 : i32
        %mul3A_247 = arith.muli %scan3A_137, %mul3A_246 : i32
        %add3A_248 = arith.constant 6 : i32
        %add3A_249 = arith.addi %mul3A_247, %add3A_248 : i32
        %mul3A_250 = arith.constant 16 : i32
        %mul3A_251 = arith.muli %add3A_249, %mul3A_250 : i32
        %swap3A_252 = arith.index_cast %mul3A_251 : i32 to index
        %swap3A_253 = tpu.vector_load %arg9[%swap3A_252] {strides = array<i32>} : memref<4096xf32, #tpu.memory_space<vmem>>, vector<16xf32>,
        tpu.vector_store %arg9[%swap3A_252], %gather3A_245 {strides = array<i32>} : memref<4096xf32, #tpu.memory_space<vmem>>, vector<16xf32>,
        %mul3A_254 = arith.constant 16 : i32
        %mul3A_255 = arith.muli %scan3A_137, %mul3A_254 : i32
        %add3A_256 = arith.constant 7 : i32
        %add3A_257 = arith.addi %mul3A_255, %add3A_256 : i32
        %mul3A_258 = arith.constant 16 : i32
        %mul3A_259 = arith.muli %add3A_257, %mul3A_258 : i32
        %get3A_260 = arith.index_cast %mul3A_259 : i32 to index
        %get3A_261 = tpu.vector_load %arg7[%get3A_260] {strides = array<i32>} : memref<4096xi32, #tpu.memory_space<vmem>>, vector<16xi32>,
        %gather3A_262 = tpu.vector_load_idx %arg5[%get3A_261] : memref<100001xf32, #tpu.memory_space<vmem>>[vector<16xi32>], vector<16xf32>,
        %mul3A_263 = arith.constant 16 : i32
        %mul3A_264 = arith.muli %scan3A_137, %mul3A_263 : i32
        %add3A_265 = arith.constant 7 : i32
        %add3A_266 = arith.addi %mul3A_264, %add3A_265 : i32
        %mul3A_267 = arith.constant 16 : i32
        %mul3A_268 = arith.muli %add3A_266, %mul3A_267 : i32
        %swap3A_269 = arith.index_cast %mul3A_268 : i32 to index
        %swap3A_270 = tpu.vector_load %arg9[%swap3A_269] {strides = array<i32>} : memref<4096xf32, #tpu.memory_space<vmem>>, vector<16xf32>,
        tpu.vector_store %arg9[%swap3A_269], %gather3A_262 {strides = array<i32>} : memref<4096xf32, #tpu.memory_space<vmem>>, vector<16xf32>,
        %mul3A_271 = arith.constant 16 : i32
        %mul3A_272 = arith.muli %scan3A_137, %mul3A_271 : i32
        %add3A_273 = arith.constant 8 : i32
        %add3A_274 = arith.addi %mul3A_272, %add3A_273 : i32
        %mul3A_275 = arith.constant 16 : i32
        %mul3A_276 = arith.muli %add3A_274, %mul3A_275 : i32
        %get3A_277 = arith.index_cast %mul3A_276 : i32 to index
        %get3A_278 = tpu.vector_load %arg7[%get3A_277] {strides = array<i32>} : memref<4096xi32, #tpu.memory_space<vmem>>, vector<16xi32>,
        %gather3A_279 = tpu.vector_load_idx %arg5[%get3A_278] : memref<100001xf32, #tpu.memory_space<vmem>>[vector<16xi32>], vector<16xf32>,
        %mul3A_280 = arith.constant 16 : i32
        %mul3A_281 = arith.muli %scan3A_137, %mul3A_280 : i32
        %add3A_282 = arith.constant 8 : i32
        %add3A_283 = arith.addi %mul3A_281, %add3A_282 : i32
        %mul3A_284 = arith.constant 16 : i32
        %mul3A_285 = arith.muli %add3A_283, %mul3A_284 : i32
        %swap3A_286 = arith.index_cast %mul3A_285 : i32 to index
        %swap3A_287 = tpu.vector_load %arg9[%swap3A_286] {strides = array<i32>} : memref<4096xf32, #tpu.memory_space<vmem>>, vector<16xf32>,
        tpu.vector_store %arg9[%swap3A_286], %gather3A_279 {strides = array<i32>} : memref<4096xf32, #tpu.memory_space<vmem>>, vector<16xf32>,
        %mul3A_288 = arith.constant 16 : i32
        %mul3A_289 = arith.muli %scan3A_137, %mul3A_288 : i32
        %add3A_290 = arith.constant 9 : i32
        %add3A_291 = arith.addi %mul3A_289, %add3A_290 : i32
        %mul3A_292 = arith.constant 16 : i32
        %mul3A_293 = arith.muli %add3A_291, %mul3A_292 : i32
        %get3A_294 = arith.index_cast %mul3A_293 : i32 to index
        %get3A_295 = tpu.vector_load %arg7[%get3A_294] {strides = array<i32>} : memref<4096xi32, #tpu.memory_space<vmem>>, vector<16xi32>,
        %gather3A_296 = tpu.vector_load_idx %arg5[%get3A_295] : memref<100001xf32, #tpu.memory_space<vmem>>[vector<16xi32>], vector<16xf32>,
        %mul3A_297 = arith.constant 16 : i32
        %mul3A_298 = arith.muli %scan3A_137, %mul3A_297 : i32
        %add3A_299 = arith.constant 9 : i32
        %add3A_300 = arith.addi %mul3A_298, %add3A_299 : i32
        %mul3A_301 = arith.constant 16 : i32
        %mul3A_302 = arith.muli %add3A_300, %mul3A_301 : i32
        %swap3A_303 = arith.index_cast %mul3A_302 : i32 to index
        %swap3A_304 = tpu.vector_load %arg9[%swap3A_303] {strides = array<i32>} : memref<4096xf32, #tpu.memory_space<vmem>>, vector<16xf32>,
        tpu.vector_store %arg9[%swap3A_303], %gather3A_296 {strides = array<i32>} : memref<4096xf32, #tpu.memory_space<vmem>>, vector<16xf32>,
        %mul3A_305 = arith.constant 16 : i32
        %mul3A_306 = arith.muli %scan3A_137, %mul3A_305 : i32
        %add3A_307 = arith.constant 10 : i32
        %add3A_308 = arith.addi %mul3A_306, %add3A_307 : i32
        %mul3A_309 = arith.constant 16 : i32
        %mul3A_310 = arith.muli %add3A_308, %mul3A_309 : i32
        %get3A_311 = arith.index_cast %mul3A_310 : i32 to index
        %get3A_312 = tpu.vector_load %arg7[%get3A_311] {strides = array<i32>} : memref<4096xi32, #tpu.memory_space<vmem>>, vector<16xi32>,
        %gather3A_313 = tpu.vector_load_idx %arg5[%get3A_312] : memref<100001xf32, #tpu.memory_space<vmem>>[vector<16xi32>], vector<16xf32>,
        %mul3A_314 = arith.constant 16 : i32
        %mul3A_315 = arith.muli %scan3A_137, %mul3A_314 : i32
        %add3A_316 = arith.constant 10 : i32
        %add3A_317 = arith.addi %mul3A_315, %add3A_316 : i32
        %mul3A_318 = arith.constant 16 : i32
        %mul3A_319 = arith.muli %add3A_317, %mul3A_318 : i32
        %swap3A_320 = arith.index_cast %mul3A_319 : i32 to index
        %swap3A_321 = tpu.vector_load %arg9[%swap3A_320] {strides = array<i32>} : memref<4096xf32, #tpu.memory_space<vmem>>, vector<16xf32>,
        tpu.vector_store %arg9[%swap3A_320], %gather3A_313 {strides = array<i32>} : memref<4096xf32, #tpu.memory_space<vmem>>, vector<16xf32>,
        %mul3A_322 = arith.constant 16 : i32
        %mul3A_323 = arith.muli %scan3A_137, %mul3A_322 : i32
        %add3A_324 = arith.constant 11 : i32
        %add3A_325 = arith.addi %mul3A_323, %add3A_324 : i32
        %mul3A_326 = arith.constant 16 : i32
        %mul3A_327 = arith.muli %add3A_325, %mul3A_326 : i32
        %get3A_328 = arith.index_cast %mul3A_327 : i32 to index
        %get3A_329 = tpu.vector_load %arg7[%get3A_328] {strides = array<i32>} : memref<4096xi32, #tpu.memory_space<vmem>>, vector<16xi32>,
        %gather3A_330 = tpu.vector_load_idx %arg5[%get3A_329] : memref<100001xf32, #tpu.memory_space<vmem>>[vector<16xi32>], vector<16xf32>,
        %mul3A_331 = arith.constant 16 : i32
        %mul3A_332 = arith.muli %scan3A_137, %mul3A_331 : i32
        %add3A_333 = arith.constant 11 : i32
        %add3A_334 = arith.addi %mul3A_332, %add3A_333 : i32
        %mul3A_335 = arith.constant 16 : i32
        %mul3A_336 = arith.muli %add3A_334, %mul3A_335 : i32
        %swap3A_337 = arith.index_cast %mul3A_336 : i32 to index
        %swap3A_338 = tpu.vector_load %arg9[%swap3A_337] {strides = array<i32>} : memref<4096xf32, #tpu.memory_space<vmem>>, vector<16xf32>,
        tpu.vector_store %arg9[%swap3A_337], %gather3A_330 {strides = array<i32>} : memref<4096xf32, #tpu.memory_space<vmem>>, vector<16xf32>,
        %mul3A_339 = arith.constant 16 : i32
        %mul3A_340 = arith.muli %scan3A_137, %mul3A_339 : i32
        %add3A_341 = arith.constant 12 : i32
        %add3A_342 = arith.addi %mul3A_340, %add3A_341 : i32
        %mul3A_343 = arith.constant 16 : i32
        %mul3A_344 = arith.muli %add3A_342, %mul3A_343 : i32
        %get3A_345 = arith.index_cast %mul3A_344 : i32 to index
        %get3A_346 = tpu.vector_load %arg7[%get3A_345] {strides = array<i32>} : memref<4096xi32, #tpu.memory_space<vmem>>, vector<16xi32>,
        %gather3A_347 = tpu.vector_load_idx %arg5[%get3A_346] : memref<100001xf32, #tpu.memory_space<vmem>>[vector<16xi32>], vector<16xf32>,
        %mul3A_348 = arith.constant 16 : i32
        %mul3A_349 = arith.muli %scan3A_137, %mul3A_348 : i32
        %add3A_350 = arith.constant 12 : i32
        %add3A_351 = arith.addi %mul3A_349, %add3A_350 : i32
        %mul3A_352 = arith.constant 16 : i32
        %mul3A_353 = arith.muli %add3A_351, %mul3A_352 : i32
        %swap3A_354 = arith.index_cast %mul3A_353 : i32 to index
        %swap3A_355 = tpu.vector_load %arg9[%swap3A_354] {strides = array<i32>} : memref<4096xf32, #tpu.memory_space<vmem>>, vector<16xf32>,
        tpu.vector_store %arg9[%swap3A_354], %gather3A_347 {strides = array<i32>} : memref<4096xf32, #tpu.memory_space<vmem>>, vector<16xf32>,
        %mul3A_356 = arith.constant 16 : i32
        %mul3A_357 = arith.muli %scan3A_137, %mul3A_356 : i32
        %add3A_358 = arith.constant 13 : i32
        %add3A_359 = arith.addi %mul3A_357, %add3A_358 : i32
        %mul3A_360 = arith.constant 16 : i32
        %mul3A_361 = arith.muli %add3A_359, %mul3A_360 : i32
        %get3A_362 = arith.index_cast %mul3A_361 : i32 to index
        %get3A_363 = tpu.vector_load %arg7[%get3A_362] {strides = array<i32>} : memref<4096xi32, #tpu.memory_space<vmem>>, vector<16xi32>,
        %gather3A_364 = tpu.vector_load_idx %arg5[%get3A_363] : memref<100001xf32, #tpu.memory_space<vmem>>[vector<16xi32>], vector<16xf32>,
        %mul3A_365 = arith.constant 16 : i32
        %mul3A_366 = arith.muli %scan3A_137, %mul3A_365 : i32
        %add3A_367 = arith.constant 13 : i32
        %add3A_368 = arith.addi %mul3A_366, %add3A_367 : i32
        %mul3A_369 = arith.constant 16 : i32
        %mul3A_370 = arith.muli %add3A_368, %mul3A_369 : i32
        %swap3A_371 = arith.index_cast %mul3A_370 : i32 to index
        %swap3A_372 = tpu.vector_load %arg9[%swap3A_371] {strides = array<i32>} : memref<4096xf32, #tpu.memory_space<vmem>>, vector<16xf32>,
        tpu.vector_store %arg9[%swap3A_371], %gather3A_364 {strides = array<i32>} : memref<4096xf32, #tpu.memory_space<vmem>>, vector<16xf32>,
        %mul3A_373 = arith.constant 16 : i32
        %mul3A_374 = arith.muli %scan3A_137, %mul3A_373 : i32
        %add3A_375 = arith.constant 14 : i32
        %add3A_376 = arith.addi %mul3A_374, %add3A_375 : i32
        %mul3A_377 = arith.constant 16 : i32
        %mul3A_378 = arith.muli %add3A_376, %mul3A_377 : i32
        %get3A_379 = arith.index_cast %mul3A_378 : i32 to index
        %get3A_380 = tpu.vector_load %arg7[%get3A_379] {strides = array<i32>} : memref<4096xi32, #tpu.memory_space<vmem>>, vector<16xi32>,
        %gather3A_381 = tpu.vector_load_idx %arg5[%get3A_380] : memref<100001xf32, #tpu.memory_space<vmem>>[vector<16xi32>], vector<16xf32>,
        %mul3A_382 = arith.constant 16 : i32
        %mul3A_383 = arith.muli %scan3A_137, %mul3A_382 : i32
        %add3A_384 = arith.constant 14 : i32
        %add3A_385 = arith.addi %mul3A_383, %add3A_384 : i32
        %mul3A_386 = arith.constant 16 : i32
        %mul3A_387 = arith.muli %add3A_385, %mul3A_386 : i32
        %swap3A_388 = arith.index_cast %mul3A_387 : i32 to index
        %swap3A_389 = tpu.vector_load %arg9[%swap3A_388] {strides = array<i32>} : memref<4096xf32, #tpu.memory_space<vmem>>, vector<16xf32>,
        tpu.vector_store %arg9[%swap3A_388], %gather3A_381 {strides = array<i32>} : memref<4096xf32, #tpu.memory_space<vmem>>, vector<16xf32>,
        %mul3A_390 = arith.constant 16 : i32
        %mul3A_391 = arith.muli %scan3A_137, %mul3A_390 : i32
        %add3A_392 = arith.constant 15 : i32
        %add3A_393 = arith.addi %mul3A_391, %add3A_392 : i32
        %mul3A_394 = arith.constant 16 : i32
        %mul3A_395 = arith.muli %add3A_393, %mul3A_394 : i32
        %get3A_396 = arith.index_cast %mul3A_395 : i32 to index
        %get3A_397 = tpu.vector_load %arg7[%get3A_396] {strides = array<i32>} : memref<4096xi32, #tpu.memory_space<vmem>>, vector<16xi32>,
        %gather3A_398 = tpu.vector_load_idx %arg5[%get3A_397] : memref<100001xf32, #tpu.memory_space<vmem>>[vector<16xi32>], vector<16xf32>,
        %mul3A_399 = arith.constant 16 : i32
        %mul3A_400 = arith.muli %scan3A_137, %mul3A_399 : i32
        %add3A_401 = arith.constant 15 : i32
        %add3A_402 = arith.addi %mul3A_400, %add3A_401 : i32
        %mul3A_403 = arith.constant 16 : i32
        %mul3A_404 = arith.muli %add3A_402, %mul3A_403 : i32
        %swap3A_405 = arith.index_cast %mul3A_404 : i32 to index
        %swap3A_406 = tpu.vector_load %arg9[%swap3A_405] {strides = array<i32>} : memref<4096xf32, #tpu.memory_space<vmem>>, vector<16xf32>,
        tpu.vector_store %arg9[%swap3A_405], %gather3A_398 {strides = array<i32>} : memref<4096xf32, #tpu.memory_space<vmem>>, vector<16xf32>,
      }
      %scan3A_118 = arith.constant 16 : i32
      %dma_start3A_119 = arith.constant 12288 : i32
      %dma_start3A_120 = tpu.memref_slice %arg4[%scan3A_6, %add3A, %dma_start3A_119] : memref<26x32x16384xf32, #tpu.memory_space<hbm>> -> memref<1x1x4096xf32, #tpu.memory_space<hbm>>
      %dma_start3A_121 = tpu.memref_squeeze %dma_start3A_120 : memref<1x1x4096xf32, #tpu.memory_space<hbm>> -> memref<4096xf32, #tpu.memory_space<hbm>>
      %dma_start3A_122 = arith.constant 12288 : i32
      %dma_start3A_123 = tpu.memref_slice %arg4[%scan3A_6, %add3A, %dma_start3A_122] : memref<26x32x16384xf32, #tpu.memory_space<hbm>> -> memref<1x1x4096xf32, #tpu.memory_space<hbm>>
      %dma_start3A_124 = tpu.memref_squeeze %dma_start3A_123 : memref<1x1x4096xf32, #tpu.memory_space<hbm>> -> memref<4096xf32, #tpu.memory_space<hbm>>
      tpu.enqueue_dma source(%arg9 : memref<4096xf32, #tpu.memory_space<vmem>>) target(%dma_start3A_124 : memref<4096xf32, #tpu.memory_space<hbm>>) target_semaphore(%arg14 : memref<!tpu.dma_semaphore, #tpu.memory_space<semaphore_mem>>)
      %dma_wait3A_125 = arith.constant 8192 : i32
      %dma_wait3A_126 = tpu.memref_slice %arg4[%scan3A_6, %add3A, %dma_wait3A_125] : memref<26x32x16384xf32, #tpu.memory_space<hbm>> -> memref<1x1x4096xf32, #tpu.memory_space<hbm>>
      %dma_wait3A_127 = tpu.memref_squeeze %dma_wait3A_126 : memref<1x1x4096xf32, #tpu.memory_space<hbm>> -> memref<4096xf32, #tpu.memory_space<hbm>>
      %dma_wait3A_128 = arith.constant 8192 : i32
      %dma_wait3A_129 = tpu.memref_slice %arg4[%scan3A_6, %add3A, %dma_wait3A_128] : memref<26x32x16384xf32, #tpu.memory_space<hbm>> -> memref<1x1x4096xf32, #tpu.memory_space<hbm>>
      %dma_wait3A_130 = tpu.memref_squeeze %dma_wait3A_129 : memref<1x1x4096xf32, #tpu.memory_space<hbm>> -> memref<4096xf32, #tpu.memory_space<hbm>>
      tpu.wait_dma2 semaphore(%arg13 : memref<!tpu.dma_semaphore, #tpu.memory_space<semaphore_mem>>) src(%arg8 : memref<4096xf32, #tpu.memory_space<vmem>>) dst(%dma_wait3A_130 : memref<4096xf32, #tpu.memory_space<hbm>>)
      %dma_wait3A_131 = arith.constant 12288 : i32
      %dma_wait3A_132 = tpu.memref_slice %arg4[%scan3A_6, %add3A, %dma_wait3A_131] : memref<26x32x16384xf32, #tpu.memory_space<hbm>> -> memref<1x1x4096xf32, #tpu.memory_space<hbm>>
      %dma_wait3A_133 = tpu.memref_squeeze %dma_wait3A_132 : memref<1x1x4096xf32, #tpu.memory_space<hbm>> -> memref<4096xf32, #tpu.memory_space<hbm>>
      %dma_wait3A_134 = arith.constant 12288 : i32
      %dma_wait3A_135 = tpu.memref_slice %arg4[%scan3A_6, %add3A, %dma_wait3A_134] : memref<26x32x16384xf32, #tpu.memory_space<hbm>> -> memref<1x1x4096xf32, #tpu.memory_space<hbm>>
      %dma_wait3A_136 = tpu.memref_squeeze %dma_wait3A_135 : memref<1x1x4096xf32, #tpu.memory_space<hbm>> -> memref<4096xf32, #tpu.memory_space<hbm>>
      tpu.wait_dma2 semaphore(%arg14 : memref<!tpu.dma_semaphore, #tpu.memory_space<semaphore_mem>>) src(%arg9 : memref<4096xf32, #tpu.memory_space<vmem>>) dst(%dma_wait3A_136 : memref<4096xf32, #tpu.memory_space<hbm>>)
    }
    %scan3A_5 = arith.constant 26 : i32
    return
  }
}

</mosaic_0001>

<sc_bundles>
// kernel: kernel.3.cloned.1.call-start
scs
__scs_entry_jumppad:
0x0: {  	(pc) =	sbr.rel $0x88, $3  }
0x1: {  	(tag) =	ssettag $0x0;
	lr =	simm.s32 $0x1  }
0x2: {  	[smem:$0x3F9F] =	sst lr;
	_ =	strace $0xD0000000  }
0x3: {  	_ = 	snop  }
0x4: {  	_ = 	snop  }
0x5: {  	_ = 	snop  }
0x6: {  	_ = 	snop  }
0x7: {  	_ = 	snop  }
__scs_overlays_trampoline_lowered:
0x8: {  	[smem:$0x3FAE] =	sst s0  }
0x9: {  	[smem:$0x3FAF] =	sst s1  }
0xa: {  	[smem:$0x3FB0] =	sst s2  }
0xb: {  	[smem:$0x3FB1] =	sst s3  }
0xc: {  	[smem:$0x3FB2] =	sst s4  }
0xd: {  	[smem:$0x3FB3] =	sst s5  }
0xe: {  	[smem:$0x3FB4] =	sst s6  }
0xf: {  	[smem:$0x3FB5] =	sst s7  }
0x10: {  	[smem:$0x3FB6] =	sst s8  }
0x11: {  	[smem:$0x3FB7] =	sst s9;
	s0 =	simm.s32 @!p0 $0x0  }
0x12: {  	s1 =	sld [smem:$0x3F9D];
	s0 =	simm.s32 @p0 $0x1  }
0x13: {  	[smem:$0x3FB8] =	sst s0;
	s0 =	simm.s32 @!p1 $0x0  }
0x14: {  	s2 =	sld [smem:$0x3F9C];
	s0 =	simm.s32 @p1 $0x1  }
0x15: {  	[smem:$0x3FB9] =	sst s0;
	s0 =	simm.s32 @!p2 $0x0  }
0x16: {  	s3 =	sld [smem:$0x3FDB];
	s0 =	simm.s32 @p2 $0x1  }
0x17: {  	s4 =	simm.s32 $0x1BF5;
	[smem:$0x3FBB] =	sst s0  }
0x18: {  	s0 =	sld [smem:$0x3F9E];
	_ =	swait.ge [sflag:s4], $0x0  }
0x19: {  	s7 =	sld [smem:$0x3F9F]  }
0x1a: {  	s8 =	sadd.s32 $0xFFFFE003, lr  }
0x1b: {  	s9 =	sadd.s32 $0xFFFFFEF7, lr;
	s5 =	simm.s32 $0xFFFFFFFF;
	p2 =	slt.u32 s8, $0xFFFFF086  }
0x1c: {  	p1 =	slt.u32 s9, $0xF7A;
	s5 =	simm.s32 @!p2 $0x0  }
0x1d: {  	s5 =	simm.s32 @p1 $0x1;
	p0 =	seq.s32 s7, s2  }
0x1e: {  	s7 =	smul.u32 @!p0 $0xF7A, s2;
	p2 =	seq.s32 @!p0 s5, $0x0  }
0x1f: {  	s9 =	smul.u32 $0xF7A, s1;
	s8 =	simm.s32 @!p0 $0x1BF5;
	p2 =	por !p2, p0  }
0x20: {  	[sflag:s8] =	ssyncset.s32 @!p0 $0xFFFFF086;
	s6 =	sadd.s32 @!p0 s3, s7;
	s7 =	simm.s32 @!p0 $0x108  }
0x21: {  	s3 =	sadd.s32 s3, s9;
	s6 =	sadd.s32 @!p0 $0x88, s6;
	s7 =	simm.s32 @p2 $0x1082  }
0x22: {  	[simem:s7], [sflag:s8] =	dma.local @!p0 [hbm:s6], $0xF7A  }
0x23: {  	s9 =	sor.u32 $0xD0000000, s2;
	s6 =	simm.s32 $0x108;
	_ =	swait.ge @!p0 [sflag:s8], $0x0  }
0x24: {  	s3 =	sadd.s32 $0x88, s3;
	s6 =	simm.s32 @!p1 $0x1082;
	[sflag:s4] =	ssyncset.s32 $0xFFFFF086  }
0x25: {  	[simem:s6], [sflag:s4] =	dma.local [hbm:s3], $0xF7A  }
0x26: {  	[smem:$0x3F9F] =	sst s1;
	(tag) =	ssettag s2;
	_ =	strace s9  }
0x27: {  	s1 =	sld [smem:$0x3FAF]  }
0x28: {  	s2 =	sld [smem:$0x3FB0]  }
0x29: {  	s4 =	sld [smem:$0x3FB2]  }
0x2a: {  	p0 =	seq.s32 s5, $0x0;
	s5 =	sld [smem:$0x3FB3]  }
0x2b: {  	s6 =	sld [smem:$0x3FB4]  }
0x2c: {  	s7 =	sld [smem:$0x3FB5]  }
0x2d: {  	s3 =	simm.s32 $0x108;
	s8 =	sld [smem:$0x3FB6]  }
0x2e: {  	s3 =	simm.s32 @!p0 $0x1082;
	s9 =	sld [smem:$0x3FB7]  }
0x2f: {  	lr =	sadd.s32 s0, s3;
	s0 =	sld [smem:$0x3FAE]  }
0x30: {  	s3 =	sld [smem:$0x3FB1]  }
0x31: {  	[smem:$0x3FBA] =	sst s10  }
0x32: {  	s10 =	sld [smem:$0x3FB8];
	_ =	sdelay $0x3  }
0x33: {  	p0 =	seq.s32 s10, $0x1;
	s10 =	sld [smem:$0x3FBA];
	_ =	sdelay $0x3  }
0x34: {  	[smem:$0x3FBA] =	sst s10  }
0x35: {  	s10 =	sld [smem:$0x3FB9];
	_ =	sdelay $0x3  }
0x36: {  	p1 =	seq.s32 s10, $0x1;
	s10 =	sld [smem:$0x3FBA];
	_ =	sdelay $0x3  }
0x37: {  	[smem:$0x3FBA] =	sst s10  }
0x38: {  	s10 =	sld [smem:$0x3FBB]  }
0x39: {  	_ = 	snop;
	(pc) =	sbr.ind lr, $3  }
0x3a: {  	_ = 	snop  }
0x3b: {  	_ = 	snop  }
0x3c: {  	p2 =	seq.s32 s10, $0x1;
	s10 =	sld [smem:$0x3FBA]  }
0x3d: {  	_ =	shalt  }
0x3e: {  	_ =	shalt  }
0x3f: {  	_ =	shalt  }
0x40: {  	_ =	shalt  }
0x41: {  	_ =	shalt  }
0x42: {  	_ =	shalt  }
0x43: {  	_ =	shalt  }
0x44: {  	_ =	shalt  }
0x45: {  	_ =	shalt  }
0x46: {  	_ =	shalt  }
0x47: {  	_ =	shalt  }
0x48: {  	_ =	shalt  }
0x49: {  	_ =	shalt  }
0x4a: {  	_ =	shalt  }
0x4b: {  	_ =	shalt  }
0x4c: {  	_ =	shalt  }
0x4d: {  	_ =	shalt  }
0x4e: {  	_ =	shalt  }
0x4f: {  	_ =	shalt  }
0x50: {  	_ =	shalt  }
0x51: {  	_ =	shalt  }
0x52: {  	_ =	shalt  }
0x53: {  	_ =	shalt  }
0x54: {  	_ =	shalt  }
0x55: {  	_ =	shalt  }
0x56: {  	_ =	shalt  }
0x57: {  	_ =	shalt  }
0x58: {  	_ =	shalt  }
0x59: {  	_ =	shalt  }
0x5a: {  	_ =	shalt  }
0x5b: {  	_ =	shalt  }
0x5c: {  	_ =	shalt  }
0x5d: {  	_ =	shalt  }
0x5e: {  	_ =	shalt  }
0x5f: {  	_ =	shalt  }
0x60: {  	_ =	shalt  }
0x61: {  	_ =	shalt  }
0x62: {  	_ =	shalt  }
0x63: {  	_ =	shalt  }
0x64: {  	_ =	shalt  }
0x65: {  	_ =	shalt  }
0x66: {  	_ =	shalt  }
0x67: {  	_ =	shalt  }
0x68: {  	_ =	shalt  }
0x69: {  	_ =	shalt  }
0x6a: {  	_ =	shalt  }
0x6b: {  	_ =	shalt  }
0x6c: {  	_ =	shalt  }
0x6d: {  	_ =	shalt  }
0x6e: {  	_ =	shalt  }
0x6f: {  	_ =	shalt  }
0x70: {  	_ =	shalt  }
0x71: {  	_ =	shalt  }
0x72: {  	_ =	shalt  }
0x73: {  	_ =	shalt  }
0x74: {  	_ =	shalt  }
0x75: {  	_ =	shalt  }
0x76: {  	_ =	shalt  }
0x77: {  	_ =	shalt  }
0x78: {  	_ =	shalt  }
0x79: {  	_ =	shalt  }
0x7a: {  	_ =	shalt  }
0x7b: {  	_ =	shalt  }
0x7c: {  	_ =	shalt  }
0x7d: {  	_ =	shalt  }
0x7e: {  	_ =	shalt  }
0x7f: {  	_ =	shalt  }
0x80: {  	_ =	shalt  }
0x81: {  	_ =	shalt  }
0x82: {  	_ =	shalt  }
0x83: {  	_ =	shalt  }
0x84: {  	_ =	shalt  }
0x85: {  	_ =	shalt  }
0x86: {  	_ =	shalt  }
0x87: {  	_ =	shalt  }
.Lfunc_end0:
.L_simem_size_0:
called_computation_lowered:
.L_overlay_start_0:
0x88: {  	s2 =	sld [smem:$0x3FD9]  }
0x89: {  	s3 =	sld [smem:$0x3FFE];
	_ =	sdelay $0x1  }
0x8a: {  	s1 =	srdreg.scid  }
0x8b: {  	s0 =	sand.u32 $0x1, s1  }
0x8c: {  	s18 =	sshll.u32 s0, $0xA;
	s2 =	sadd.s32 s3, s2  }
0x8d: {  	s2 =	sadd.s32 s2, s18  }
0x8e: {  	[smem:$0x3FC6] =	sst s2  }
0x8f: {  	_ = 	snop  }
0x90: {  	s2 =	sld [smem:$0x3FC9]  }
0x91: {  	s19 =	sld [smem:$0x3FC8]  }
0x92: {  	s4 =	sld [smem:$0x3FD0];
	(tm) =	ssettm $0x1  }
0x93: {  	s5 =	sld [smem:$0x3FFB];
	_ =	sdelay $0x3  }
0x94: {  	_ =	strace s5  }
0x95: {  	s5 =	sld [smem:$0x3FFC];
	_ =	sdelay $0x3  }
0x96: {  	_ =	strace s5  }
0x97: {  	s5 =	sld [smem:$0x3FFD];
	_ =	sdelay $0x3  }
0x98: {  	_ =	strace s5  }
0x99: {  	_ =	strace $0x8FFFFFFF  }
0x9a: {  	s20 =	sld [smem:$0x3FDB];
	_ =	sdelay $0x1  }
0x9b: {  	s6 =	simm.s32 $_scs_section_size  }
0x9c: {  	s7 =	simm.s32 $_size__tile_overlayer_lowered;
	s8 =	simm.s32 $_tile_overlayer_lowered  }
0x9d: {  	s23 =	simm.s32 $0x1BFF;
	s22 =	sshll.u32 s8, $0x1;
	s5 =	sadd.s32 s6, s20  }
0x9e: {  	s9 =	simm.s32 $0x0;
	s21 =	sshll.u32 s7, $0x1;
	s7 =	sadd.s32 s22, s5  }
0x9f: {  	[timem:s9], [sflag:s23] =	dma.local [hbm:s7], s21  }
0xa0: {  	_ =	swait.ge [sflag:s23], s21  }
0xa1: {  	s6 =	ssub.s32 $0x0, s21;
	[sflag:s23] =	ssyncset.done $0x0  }
0xa2: {  	[sflag:s23] =	ssyncadd.s32 s6;
	_ =	sdelay $0x1  }
0xa3: {  	s24 =	simm.s32 $0x1B8B  }
0xa4: {  	_ =	swait.ge [sflag:s24], $0x1  }
0xa5: {  	[sflag:s24] =	ssyncset.done $0x0  }
0xa6: {  	s25 =	simm.s32 $0x1B8E;
	[sflag:s24] =	ssyncadd.s32 $0xFFFFFFFF  }
0xa7: {  	s26 =	simm.s32 $execute0_lowered;
	[smem:$0x3FD2] =	sst s25  }
0xa8: {  	s6 =	sshll.u32 s26, $0x1;
	_ =	strace $0x80000046;
	[dreg:$0x1] =	wrdreg $0xFFFFFFFF  }
0xa9: {  	s28 =	simm.s32 $_size_execute0_lowered;
	s5 =	sadd.s32 s5, s6;
	[dreg:$0x0] =	wrdreg $0x0  }
0xaa: {  	s6 =	sshll.u32 s28, $0x1;
	[dreg:$0x2] =	wrdreg s5  }
0xab: {  	[dreg:$0x3] =	wrdreg s6  }
0xac: {  	[dreg:$0x4] =	wrdreg $0xC0  }
0xad: {  	_ =	task [dreg:s9], $0x5FFFF  }
0xae: {  	[dreg:$0x1] =	wrdreg $0xFFFFFFFF  }
0xaf: {  	[dreg:$0x0] =	wrdreg $0x60  }
0xb0: {  	[dreg:$0x2] =	wrdreg s2  }
0xb1: {  	[dreg:$0x3] =	wrdreg s19  }
0xb2: {  	[dreg:$0x4] =	wrdreg s4  }
0xb3: {  	[dreg:$0x5] =	wrdreg $0x9  }
0xb4: {  	_ =	task.clear_ibuf [dreg:s9], $0x6FFFF;
	_ =	strace $0x90000046  }
0xb5: {  	s29 =	simm.s32 $0x9;
	_ =	strace $0x80000048  }
0xb6: {  	_ =	swait.ge [sflag:s29], $0x1  }
0xb7: {  	[sflag:s29] =	ssyncadd.s32 $0xFFFFFFFF  }
0xb8: {  	_ =	strace $0x90000048  }
0xb9: {  	_ =	sfence  }
0xba: {  	s30 =	sld [smem:$0x0];
	_ =	sdelay $0x2  }
0xbb: {  	s31 =	sshll.u32 s1, $0xD;
	s1 =	sshrl.u32 s1, $0x2  }
0xbc: {  	s3 =	sand.u32 $0x4000, s31;
	s1 =	sadd.s32 s1, s30  }
0xbd: {  	s0 =	sor.u32 s3, s0;
	s1 =	sshll.u32 s1, $0x11  }
0xbe: {  	s0 =	sor.u32 s1, s0  }
0xbf: {  	s0 =	sadd.s32 $0x8F2B, s0  }
0xc0: {  	[sflag:s0] =	ssyncadd.remote.s32 $0x1  }
0xc1: {  	_ =	sfence.sel $0xFFFF  }
0xc2: {  	[dreg:$0x0] =	wrdreg $0xFFFFFFFF;
	(pc) =	sbr.abs _section_cstart, $3  }
0xc3: {  	[dreg:$0x1] =	wrdreg $0xFFFFFFFF  }
0xc4: {  	_ =	task.clear_ibuf [dreg:s9], $0x2FFFF;
	_ =	strace $0x9FFFFFFF  }
0xc5: {  	(tm) =	ssettm $0x7FFFFFFF  }
tec
execute0_lowered:
.L_overlay_start_1:
0x0: {  	(tag) =	ssettag $0x1  }
0x1: {  	s0 =	rddreg [dreg:$0x0]  }
0x2: {  	s3 =	rddreg [dreg:$0x1]  }
0x3: {  	s1 =	srdreg.scid;
	s4 =	rddreg [dreg:$0x2]  }
0x4: {  	s7 =	stileid.u32;
	s5 =	simm.s32 $0x0;
	s16 =	simm.s32 $0x80  }
0x5: {  	s17 =	simm.s32 $0x400;
	s18 =	simm.s32 $0x18700;
	s19 =	simm.s32 $0x1  }
0x6: {  	s20 =	simm.s32 $0x19700;
	s21 =	simm.s32 $0x2;
	s22 =	simm.s32 $0x1A700  }
0x7: {  	s23 =	simm.s32 $0x3;
	s24 =	simm.s32 $0x1B700;
	s25 =	simm.s32 $0x4  }
0x8: {  	s26 =	simm.s32 $0x5;
	s28 =	simm.s32 $0x0;
	s1 =	sand.u32 $0x1, s1  }
0x9: {  	[smem:$0x7FF] =	sst s5;
	s10 =	sadd.s32 $0x2000, s0;
	s11 =	sadd.s32 $0x1000, s4  }
0xa: {  	s12 =	sadd.s32 $0x3000, s0;
	s13 =	sadd.s32 $0x2000, s4;
	s2 =	sshll.u32 s1, $0x4  }
0xb: {  	s14 =	sadd.s32 $0x3000, s4;
	s1 =	ssub.s32 $0x2, s1;
	s2 =	sor.u32 s7, s2  }
0xc: {  	_ =	strace $0x80000047;
	s6 =	sshrl.u32 s1, $0x1;
	s2 =	sshrl.u32 s2, $0x3  }
0xd: {  	s7 =	sshll.u32 s7, $0x7;
	s1 =	ssub.s32 s1, s6;
	s8 =	smul.u32 $0xC3800, s2  }
0xe: {  	s6 =	sand.u32 $0x380, s7;
	s9 =	sshll.u32 s2, $0x11;
	s1 =	smax.u32 s1, $0x1  }
0xf: {  	[dreg:$0x4] =	wrdreg s1;
	s7 =	sor.u32 s6, s8;
	s8 =	sadd.s32 $0x1000, s0  }
.LBB2_1:
0x10: {  	s29 =	simm.s32 $0x0  }
.LBB2_2:
0x11: {  	s1 =	smul.u32 $0x30E000, s29;
	_ =	sdelay $0x1  }
0x12: {  	s1 =	sadd.s32 s7, s1  }
0x13: {  	s1 =	sshrl.u32 s1, $0x3  }
0x14: {  	s2 =	simm.s32 $0x0;
	s1 =	sadd.s32 s3, s1  }
0x15: {  	[tilespmem:s2], [sflag:$0x1] =	stream.strided.gather [hbm4b:s1+s16], $0x18700, s17, s16, $0x38;
	[tilespmem:$0x1C700] =	vst v63  }
0x16: {  	s15 =	sshll.u32 s29, $0x4;
	s2 =	sshll.u32 s29, $0xB  }
0x17: {  	s1 =	sand.u32 $0xC000, s2;
	s2 =	sand.u32 $0x70, s15  }
0x18: {  	s31 =	sor.u32 s2, s1  }
0x19: {  	s1 =	sadd.s32 s0, s31  }
0x1a: {  	[tilespmem:s18], [sflag:$0x2] =	stream.strided.gather [hbm4b:s1+s16], $0x1000, s17, s16, $0x38;
	[tilespmem:$0x1C700] =	vst v63  }
0x1b: {  	_ =	swait.ge [sflag:s19], $0x18700  }
0x1c: {  	[sflag:s19] =	ssyncset.done $0x0  }
0x1d: {  	s15 =	sadd.s32 s31, s8;
	[sflag:s19] =	ssyncadd.s32 $0xFFFE7900  }
0x1e: {  	[tilespmem:s20], [sflag:$0x3] =	stream.strided.gather [hbm4b:s15+s16], $0x1000, s17, s16, $0x38;
	[tilespmem:$0x1C700] =	vst v63  }
0x1f: {  	_ =	swait.ge [sflag:s21], $0x1000  }
0x20: {  	[sflag:s21] =	ssyncset.done $0x0  }
0x21: {  	s30 =	simm.s32 $0x0;
	[sflag:s21] =	ssyncadd.s32 $0xFFFFF000  }
0x22: {  	v0 =	vld [tilespmem:s30+$0x18700];
	_ =	sdelay $0x5  }
0x23: {  	v1 =	vld [tilespmem:s30+$0x18710];
	_ =	sdelay $0x1  }
0x24: {  	v0 =	vld.idx.msk [tilespmem:v0+s5+$0x0], $0xffff;
	_ =	sdelay $0x4  }
0x25: {  	[tilespmem:s30+$0x1A700] =	vst v0;
	v0 =	vld [tilespmem:s30+$0x18720]  }
0x26: {  	v1 =	vld.idx.msk [tilespmem:v1+s5+$0x0], $0xffff;
	_ =	sdelay $0x4  }
0x27: {  	[tilespmem:s30+$0x1A710] =	vst v1;
	v1 =	vld [tilespmem:s30+$0x18730];
	_ =	sdelay $0x1  }
0x28: {  	v0 =	vld.idx.msk [tilespmem:v0+s5+$0x0], $0xffff;
	_ =	sdelay $0x4  }
0x29: {  	[tilespmem:s30+$0x1A720] =	vst v0;
	v0 =	vld [tilespmem:s30+$0x18740]  }
0x2a: {  	v1 =	vld.idx.msk [tilespmem:v1+s5+$0x0], $0xffff;
	_ =	sdelay $0x4  }
0x2b: {  	[tilespmem:s30+$0x1A730] =	vst v1;
	v1 =	vld [tilespmem:s30+$0x18750];
	_ =	sdelay $0x1  }
0x2c: {  	v0 =	vld.idx.msk [tilespmem:v0+s5+$0x0], $0xffff;
	_ =	sdelay $0x4  }
0x2d: {  	[tilespmem:s30+$0x1A740] =	vst v0;
	v0 =	vld [tilespmem:s30+$0x18760]  }
0x2e: {  	v1 =	vld.idx.msk [tilespmem:v1+s5+$0x0], $0xffff;
	_ =	sdelay $0x4  }
0x2f: {  	[tilespmem:s30+$0x1A750] =	vst v1;
	v1 =	vld [tilespmem:s30+$0x18770];
	_ =	sdelay $0x1  }
0x30: {  	v0 =	vld.idx.msk [tilespmem:v0+s5+$0x0], $0xffff;
	_ =	sdelay $0x4  }
0x31: {  	[tilespmem:s30+$0x1A760] =	vst v0;
	v0 =	vld [tilespmem:s30+$0x18780]  }
0x32: {  	v1 =	vld.idx.msk [tilespmem:v1+s5+$0x0], $0xffff;
	_ =	sdelay $0x4  }
0x33: {  	[tilespmem:s30+$0x1A770] =	vst v1;
	v1 =	vld [tilespmem:s30+$0x18790];
	_ =	sdelay $0x1  }
0x34: {  	v0 =	vld.idx.msk [tilespmem:v0+s5+$0x0], $0xffff;
	_ =	sdelay $0x4  }
0x35: {  	[tilespmem:s30+$0x1A780] =	vst v0;
	v0 =	vld [tilespmem:s30+$0x187A0]  }
0x36: {  	v1 =	vld.idx.msk [tilespmem:v1+s5+$0x0], $0xffff;
	_ =	sdelay $0x4  }
0x37: {  	[tilespmem:s30+$0x1A790] =	vst v1;
	v1 =	vld [tilespmem:s30+$0x187B0];
	_ =	sdelay $0x1  }
0x38: {  	v0 =	vld.idx.msk [tilespmem:v0+s5+$0x0], $0xffff;
	_ =	sdelay $0x4  }
0x39: {  	[tilespmem:s30+$0x1A7A0] =	vst v0;
	v0 =	vld [tilespmem:s30+$0x187C0]  }
0x3a: {  	v1 =	vld.idx.msk [tilespmem:v1+s5+$0x0], $0xffff;
	_ =	sdelay $0x4  }
0x3b: {  	[tilespmem:s30+$0x1A7B0] =	vst v1;
	v1 =	vld [tilespmem:s30+$0x187D0];
	_ =	sdelay $0x1  }
0x3c: {  	v0 =	vld.idx.msk [tilespmem:v0+s5+$0x0], $0xffff;
	_ =	sdelay $0x4  }
0x3d: {  	v2 =	vld [tilespmem:s30+$0x187E0];
	[tilespmem:s30+$0x1A7C0] =	vst v0  }
0x3e: {  	v0 =	vld.idx.msk [tilespmem:v1+s5+$0x0], $0xffff;
	_ =	sdelay $0x4  }
0x3f: {  	[tilespmem:s30+$0x1A7D0] =	vst v0;
	v0 =	vld [tilespmem:s30+$0x187F0];
	_ =	sdelay $0x1  }
0x40: {  	v1 =	vld.idx.msk [tilespmem:v2+s5+$0x0], $0xffff;
	_ =	sdelay $0x3  }
0x41: {  	s2 =	simm.s32 $0x100;
	s1 =	simm.s32 $0x800  }
.LBB2_3:
0x42: {  	p0 =	sne.s32 s1, $0x3C00;
	v2 =	vld [tilespmem:s2+$0x18700];
	[tilespmem:s30+$0x1A7E0] =	vst v1  }
0x43: {  	v0 =	vld.idx.msk [tilespmem:v0+s5+$0x0], $0xffff;
	_ =	sdelay $0x5  }
0x44: {  	v1 =	vld [tilespmem:s2+$0x18710];
	[tilespmem:s30+$0x1A7F0] =	vst v0;
	s30 =	smov.u32 s2  }
0x45: {  	v0 =	vld.idx.msk [tilespmem:v2+s5+$0x0], $0xffff;
	_ =	sdelay $0x5  }
0x46: {  	[tilespmem:s30+$0x1A700] =	vst v0;
	v0 =	vld [tilespmem:s30+$0x18720]  }
0x47: {  	v1 =	vld.idx.msk [tilespmem:v1+s5+$0x0], $0xffff;
	_ =	sdelay $0x5  }
0x48: {  	[tilespmem:s30+$0x1A710] =	vst v1;
	v1 =	vld [tilespmem:s30+$0x18730]  }
0x49: {  	v0 =	vld.idx.msk [tilespmem:v0+s5+$0x0], $0xffff;
	_ =	sdelay $0x5  }
0x4a: {  	[tilespmem:s30+$0x1A720] =	vst v0;
	v0 =	vld [tilespmem:s30+$0x18740]  }
0x4b: {  	v1 =	vld.idx.msk [tilespmem:v1+s5+$0x0], $0xffff;
	_ =	sdelay $0x5  }
0x4c: {  	[tilespmem:s30+$0x1A730] =	vst v1;
	v1 =	vld [tilespmem:s30+$0x18750]  }
0x4d: {  	v0 =	vld.idx.msk [tilespmem:v0+s5+$0x0], $0xffff;
	_ =	sdelay $0x5  }
0x4e: {  	[tilespmem:s30+$0x1A740] =	vst v0;
	v0 =	vld [tilespmem:s30+$0x18760]  }
0x4f: {  	v1 =	vld.idx.msk [tilespmem:v1+s5+$0x0], $0xffff;
	_ =	sdelay $0x5  }
0x50: {  	[tilespmem:s30+$0x1A750] =	vst v1;
	v1 =	vld [tilespmem:s30+$0x18770]  }
0x51: {  	v0 =	vld.idx.msk [tilespmem:v0+s5+$0x0], $0xffff;
	_ =	sdelay $0x5  }
0x52: {  	[tilespmem:s30+$0x1A760] =	vst v0;
	v0 =	vld [tilespmem:s30+$0x18780]  }
0x53: {  	v1 =	vld.idx.msk [tilespmem:v1+s5+$0x0], $0xffff;
	_ =	sdelay $0x5  }
0x54: {  	[tilespmem:s30+$0x1A770] =	vst v1;
	v1 =	vld [tilespmem:s30+$0x18790]  }
0x55: {  	v0 =	vld.idx.msk [tilespmem:v0+s5+$0x0], $0xffff;
	_ =	sdelay $0x5  }
0x56: {  	[tilespmem:s30+$0x1A780] =	vst v0;
	v0 =	vld [tilespmem:s30+$0x187A0]  }
0x57: {  	v1 =	vld.idx.msk [tilespmem:v1+s5+$0x0], $0xffff;
	_ =	sdelay $0x5  }
0x58: {  	[tilespmem:s30+$0x1A790] =	vst v1;
	v1 =	vld [tilespmem:s30+$0x187B0]  }
0x59: {  	v0 =	vld.idx.msk [tilespmem:v0+s5+$0x0], $0xffff;
	_ =	sdelay $0x5  }
0x5a: {  	[tilespmem:s30+$0x1A7A0] =	vst v0;
	v0 =	vld [tilespmem:s30+$0x187C0]  }
0x5b: {  	v1 =	vld.idx.msk [tilespmem:v1+s5+$0x0], $0xffff;
	_ =	sdelay $0x5  }
0x5c: {  	[tilespmem:s30+$0x1A7B0] =	vst v1;
	v1 =	vld [tilespmem:s30+$0x187D0]  }
0x5d: {  	v0 =	vld.idx.msk [tilespmem:v0+s5+$0x0], $0xffff;
	_ =	sdelay $0x5  }
0x5e: {  	[tilespmem:s30+$0x1A7C0] =	vst v0;
	v2 =	vld [tilespmem:s30+$0x187E0]  }
0x5f: {  	v0 =	vld.idx.msk [tilespmem:v1+s5+$0x0], $0xffff;
	_ =	sdelay $0x5  }
0x60: {  	[tilespmem:s30+$0x1A7D0] =	vst v0;
	v0 =	vld [tilespmem:s30+$0x187F0]  }
0x61: {  	v1 =	vld.idx.msk [tilespmem:v2+s5+$0x0], $0xffff  }
.Ltmp0:
0x62: {  	(pc) =	sbr.rel @p0 .LBB2_3-.Ltmp0, $2  }
0x63: {  	_ =	sdelay $0x2  }
0x64: {  	s2 =	sshra.s32 s1, $0x2;
	s1 =	sadd.s32 $0x400, s1  }
0x65: {  	_ =	sdelay $0x1  }
0x66: {  	v2 =	vld [tilespmem:s2+$0x18700]  }
0x67: {  	[tilespmem:s30+$0x1A7E0] =	vst v1  }
0x68: {  	v0 =	vld.idx.msk [tilespmem:v0+s5+$0x0], $0xffff;
	_ =	sdelay $0x3  }
0x69: {  	v1 =	vld [tilespmem:s2+$0x18710]  }
0x6a: {  	[tilespmem:s30+$0x1A7F0] =	vst v0  }
0x6b: {  	v0 =	vld.idx.msk [tilespmem:v2+s5+$0x0], $0xffff;
	_ =	sdelay $0x4  }
0x6c: {  	[tilespmem:s2+$0x1A700] =	vst v0;
	v0 =	vld [tilespmem:s2+$0x18720]  }
0x6d: {  	v1 =	vld.idx.msk [tilespmem:v1+s5+$0x0], $0xffff;
	_ =	sdelay $0x4  }
0x6e: {  	[tilespmem:s2+$0x1A710] =	vst v1;
	v1 =	vld [tilespmem:s2+$0x18730];
	_ =	sdelay $0x1  }
0x6f: {  	v0 =	vld.idx.msk [tilespmem:v0+s5+$0x0], $0xffff;
	_ =	sdelay $0x4  }
0x70: {  	[tilespmem:s2+$0x1A720] =	vst v0;
	v0 =	vld [tilespmem:s2+$0x18740]  }
0x71: {  	v1 =	vld.idx.msk [tilespmem:v1+s5+$0x0], $0xffff;
	_ =	sdelay $0x4  }
0x72: {  	[tilespmem:s2+$0x1A730] =	vst v1;
	v1 =	vld [tilespmem:s2+$0x18750];
	_ =	sdelay $0x1  }
0x73: {  	v0 =	vld.idx.msk [tilespmem:v0+s5+$0x0], $0xffff;
	_ =	sdelay $0x4  }
0x74: {  	[tilespmem:s2+$0x1A740] =	vst v0;
	v0 =	vld [tilespmem:s2+$0x18760]  }
0x75: {  	v1 =	vld.idx.msk [tilespmem:v1+s5+$0x0], $0xffff;
	_ =	sdelay $0x4  }
0x76: {  	[tilespmem:s2+$0x1A750] =	vst v1;
	v1 =	vld [tilespmem:s2+$0x18770];
	_ =	sdelay $0x1  }
0x77: {  	v0 =	vld.idx.msk [tilespmem:v0+s5+$0x0], $0xffff;
	_ =	sdelay $0x4  }
0x78: {  	[tilespmem:s2+$0x1A760] =	vst v0;
	v0 =	vld [tilespmem:s2+$0x18780]  }
0x79: {  	v1 =	vld.idx.msk [tilespmem:v1+s5+$0x0], $0xffff;
	_ =	sdelay $0x4  }
0x7a: {  	[tilespmem:s2+$0x1A770] =	vst v1;
	v1 =	vld [tilespmem:s2+$0x18790];
	_ =	sdelay $0x1  }
0x7b: {  	v0 =	vld.idx.msk [tilespmem:v0+s5+$0x0], $0xffff;
	_ =	sdelay $0x4  }
0x7c: {  	[tilespmem:s2+$0x1A780] =	vst v0;
	v0 =	vld [tilespmem:s2+$0x187A0]  }
0x7d: {  	v1 =	vld.idx.msk [tilespmem:v1+s5+$0x0], $0xffff;
	_ =	sdelay $0x4  }
0x7e: {  	[tilespmem:s2+$0x1A790] =	vst v1;
	v1 =	vld [tilespmem:s2+$0x187B0];
	_ =	sdelay $0x1  }
0x7f: {  	v0 =	vld.idx.msk [tilespmem:v0+s5+$0x0], $0xffff;
	_ =	sdelay $0x4  }
0x80: {  	[tilespmem:s2+$0x1A7A0] =	vst v0;
	v0 =	vld [tilespmem:s2+$0x187C0]  }
0x81: {  	v1 =	vld.idx.msk [tilespmem:v1+s5+$0x0], $0xffff;
	_ =	sdelay $0x4  }
0x82: {  	[tilespmem:s2+$0x1A7B0] =	vst v1;
	v1 =	vld [tilespmem:s2+$0x187D0];
	_ =	sdelay $0x1  }
0x83: {  	v0 =	vld.idx.msk [tilespmem:v0+s5+$0x0], $0xffff;
	_ =	sdelay $0x4  }
0x84: {  	[tilespmem:s2+$0x1A7C0] =	vst v0;
	v0 =	vld [tilespmem:s2+$0x187E0]  }
0x85: {  	v1 =	vld.idx.msk [tilespmem:v1+s5+$0x0], $0xffff;
	_ =	sdelay $0x4  }
0x86: {  	[tilespmem:s2+$0x1A7D0] =	vst v1;
	v1 =	vld [tilespmem:s2+$0x187F0];
	_ =	sdelay $0x1  }
0x87: {  	v0 =	vld.idx.msk [tilespmem:v0+s5+$0x0], $0xffff;
	_ =	sdelay $0x4  }
0x88: {  	[tilespmem:s2+$0x1A7E0] =	vst v0  }
0x89: {  	v0 =	vld.idx.msk [tilespmem:v1+s5+$0x0], $0xffff  }
0x8a: {  	s1 =	sshll.u32 s29, $0x13  }
0x8b: {  	s1 =	sor.u32 s1, s9  }
0x8c: {  	s1 =	sor.u32 s6, s1  }
0x8d: {  	s30 =	sshrl.u32 s1, $0x3  }
0x8e: {  	s1 =	sadd.s32 s4, s30;
	[tilespmem:s2+$0x1A7F0] =	vst v0  }
0x8f: {  	[hbm4b:s1+s16] =	stream.strided.scatter [tilespmem:s22], [sflag:$0x4], $0x1000, s17, s16, $0x38;
	[tilespmem:$0x1C700] =	vst v63  }
0x90: {  	s15 =	sadd.s32 s31, s10  }
0x91: {  	[tilespmem:s18], [sflag:$0x2] =	stream.strided.gather [hbm4b:s15+s16], $0x1000, s17, s16, $0x38;
	[tilespmem:$0x1C700] =	vst v63  }
0x92: {  	_ =	swait.ge [sflag:s23], $0x1000  }
0x93: {  	[sflag:s23] =	ssyncset.done $0x0  }
0x94: {  	s1 =	simm.s32 $0x0;
	[sflag:s23] =	ssyncadd.s32 $0xFFFFF000  }
0x95: {  	v0 =	vld [tilespmem:s1+$0x19700];
	_ =	sdelay $0x5  }
0x96: {  	v1 =	vld [tilespmem:s1+$0x19710];
	_ =	sdelay $0x1  }
0x97: {  	v0 =	vld.idx.msk [tilespmem:v0+s5+$0x0], $0xffff;
	_ =	sdelay $0x4  }
0x98: {  	[tilespmem:s1+$0x1B700] =	vst v0;
	v0 =	vld [tilespmem:s1+$0x19720]  }
0x99: {  	v1 =	vld.idx.msk [tilespmem:v1+s5+$0x0], $0xffff;
	_ =	sdelay $0x4  }
0x9a: {  	[tilespmem:s1+$0x1B710] =	vst v1;
	v1 =	vld [tilespmem:s1+$0x19730];
	_ =	sdelay $0x1  }
0x9b: {  	v0 =	vld.idx.msk [tilespmem:v0+s5+$0x0], $0xffff;
	_ =	sdelay $0x4  }
0x9c: {  	[tilespmem:s1+$0x1B720] =	vst v0;
	v0 =	vld [tilespmem:s1+$0x19740]  }
0x9d: {  	v1 =	vld.idx.msk [tilespmem:v1+s5+$0x0], $0xffff;
	_ =	sdelay $0x4  }
0x9e: {  	[tilespmem:s1+$0x1B730] =	vst v1;
	v1 =	vld [tilespmem:s1+$0x19750];
	_ =	sdelay $0x1  }
0x9f: {  	v0 =	vld.idx.msk [tilespmem:v0+s5+$0x0], $0xffff;
	_ =	sdelay $0x4  }
0xa0: {  	[tilespmem:s1+$0x1B740] =	vst v0;
	v0 =	vld [tilespmem:s1+$0x19760]  }
0xa1: {  	v1 =	vld.idx.msk [tilespmem:v1+s5+$0x0], $0xffff;
	_ =	sdelay $0x4  }
0xa2: {  	[tilespmem:s1+$0x1B750] =	vst v1;
	v1 =	vld [tilespmem:s1+$0x19770];
	_ =	sdelay $0x1  }
0xa3: {  	v0 =	vld.idx.msk [tilespmem:v0+s5+$0x0], $0xffff;
	_ =	sdelay $0x4  }
0xa4: {  	[tilespmem:s1+$0x1B760] =	vst v0;
	v0 =	vld [tilespmem:s1+$0x19780]  }
0xa5: {  	v1 =	vld.idx.msk [tilespmem:v1+s5+$0x0], $0xffff;
	_ =	sdelay $0x4  }
0xa6: {  	[tilespmem:s1+$0x1B770] =	vst v1;
	v1 =	vld [tilespmem:s1+$0x19790];
	_ =	sdelay $0x1  }
0xa7: {  	v0 =	vld.idx.msk [tilespmem:v0+s5+$0x0], $0xffff;
	_ =	sdelay $0x4  }
0xa8: {  	[tilespmem:s1+$0x1B780] =	vst v0;
	v0 =	vld [tilespmem:s1+$0x197A0]  }
0xa9: {  	v1 =	vld.idx.msk [tilespmem:v1+s5+$0x0], $0xffff;
	_ =	sdelay $0x4  }
0xaa: {  	[tilespmem:s1+$0x1B790] =	vst v1;
	v1 =	vld [tilespmem:s1+$0x197B0];
	_ =	sdelay $0x1  }
0xab: {  	v0 =	vld.idx.msk [tilespmem:v0+s5+$0x0], $0xffff;
	_ =	sdelay $0x4  }
0xac: {  	[tilespmem:s1+$0x1B7A0] =	vst v0;
	v0 =	vld [tilespmem:s1+$0x197C0]  }
0xad: {  	v1 =	vld.idx.msk [tilespmem:v1+s5+$0x0], $0xffff;
	_ =	sdelay $0x4  }
0xae: {  	[tilespmem:s1+$0x1B7B0] =	vst v1;
	v1 =	vld [tilespmem:s1+$0x197D0];
	_ =	sdelay $0x1  }
0xaf: {  	v0 =	vld.idx.msk [tilespmem:v0+s5+$0x0], $0xffff;
	_ =	sdelay $0x4  }
0xb0: {  	v2 =	vld [tilespmem:s1+$0x197E0];
	[tilespmem:s1+$0x1B7C0] =	vst v0  }
0xb1: {  	v0 =	vld.idx.msk [tilespmem:v1+s5+$0x0], $0xffff;
	_ =	sdelay $0x4  }
0xb2: {  	[tilespmem:s1+$0x1B7D0] =	vst v0;
	v0 =	vld [tilespmem:s1+$0x197F0];
	_ =	sdelay $0x1  }
0xb3: {  	v1 =	vld.idx.msk [tilespmem:v2+s5+$0x0], $0xffff;
	_ =	sdelay $0x3  }
0xb4: {  	s2 =	simm.s32 $0x800;
	s15 =	simm.s32 $0x100  }
.LBB2_5:
0xb5: {  	p0 =	sne.s32 s2, $0x3C00;
	v2 =	vld [tilespmem:s15+$0x19700];
	[tilespmem:s1+$0x1B7E0] =	vst v1  }
0xb6: {  	v0 =	vld.idx.msk [tilespmem:v0+s5+$0x0], $0xffff;
	_ =	sdelay $0x5  }
0xb7: {  	v1 =	vld [tilespmem:s15+$0x19710];
	[tilespmem:s1+$0x1B7F0] =	vst v0;
	s1 =	smov.u32 s15  }
0xb8: {  	v0 =	vld.idx.msk [tilespmem:v2+s5+$0x0], $0xffff;
	_ =	sdelay $0x5  }
0xb9: {  	[tilespmem:s1+$0x1B700] =	vst v0;
	v0 =	vld [tilespmem:s1+$0x19720]  }
0xba: {  	v1 =	vld.idx.msk [tilespmem:v1+s5+$0x0], $0xffff;
	_ =	sdelay $0x5  }
0xbb: {  	[tilespmem:s1+$0x1B710] =	vst v1;
	v1 =	vld [tilespmem:s1+$0x19730]  }
0xbc: {  	v0 =	vld.idx.msk [tilespmem:v0+s5+$0x0], $0xffff;
	_ =	sdelay $0x5  }
0xbd: {  	[tilespmem:s1+$0x1B720] =	vst v0;
	v0 =	vld [tilespmem:s1+$0x19740]  }
0xbe: {  	v1 =	vld.idx.msk [tilespmem:v1+s5+$0x0], $0xffff;
	_ =	sdelay $0x5  }
0xbf: {  	[tilespmem:s1+$0x1B730] =	vst v1;
	v1 =	vld [tilespmem:s1+$0x19750]  }
0xc0: {  	v0 =	vld.idx.msk [tilespmem:v0+s5+$0x0], $0xffff;
	_ =	sdelay $0x5  }
0xc1: {  	[tilespmem:s1+$0x1B740] =	vst v0;
	v0 =	vld [tilespmem:s1+$0x19760]  }
0xc2: {  	v1 =	vld.idx.msk [tilespmem:v1+s5+$0x0], $0xffff;
	_ =	sdelay $0x5  }
0xc3: {  	[tilespmem:s1+$0x1B750] =	vst v1;
	v1 =	vld [tilespmem:s1+$0x19770]  }
0xc4: {  	v0 =	vld.idx.msk [tilespmem:v0+s5+$0x0], $0xffff;
	_ =	sdelay $0x5  }
0xc5: {  	[tilespmem:s1+$0x1B760] =	vst v0;
	v0 =	vld [tilespmem:s1+$0x19780]  }
0xc6: {  	v1 =	vld.idx.msk [tilespmem:v1+s5+$0x0], $0xffff;
	_ =	sdelay $0x5  }
0xc7: {  	[tilespmem:s1+$0x1B770] =	vst v1;
	v1 =	vld [tilespmem:s1+$0x19790]  }
0xc8: {  	v0 =	vld.idx.msk [tilespmem:v0+s5+$0x0], $0xffff;
	_ =	sdelay $0x5  }
0xc9: {  	[tilespmem:s1+$0x1B780] =	vst v0;
	v0 =	vld [tilespmem:s1+$0x197A0]  }
0xca: {  	v1 =	vld.idx.msk [tilespmem:v1+s5+$0x0], $0xffff;
	_ =	sdelay $0x5  }
0xcb: {  	[tilespmem:s1+$0x1B790] =	vst v1;
	v1 =	vld [tilespmem:s1+$0x197B0]  }
0xcc: {  	v0 =	vld.idx.msk [tilespmem:v0+s5+$0x0], $0xffff;
	_ =	sdelay $0x5  }
0xcd: {  	[tilespmem:s1+$0x1B7A0] =	vst v0;
	v0 =	vld [tilespmem:s1+$0x197C0]  }
0xce: {  	v1 =	vld.idx.msk [tilespmem:v1+s5+$0x0], $0xffff;
	_ =	sdelay $0x5  }
0xcf: {  	[tilespmem:s1+$0x1B7B0] =	vst v1;
	v1 =	vld [tilespmem:s1+$0x197D0]  }
0xd0: {  	v0 =	vld.idx.msk [tilespmem:v0+s5+$0x0], $0xffff;
	_ =	sdelay $0x5  }
0xd1: {  	[tilespmem:s1+$0x1B7C0] =	vst v0;
	v2 =	vld [tilespmem:s1+$0x197E0]  }
0xd2: {  	v0 =	vld.idx.msk [tilespmem:v1+s5+$0x0], $0xffff;
	_ =	sdelay $0x5  }
0xd3: {  	[tilespmem:s1+$0x1B7D0] =	vst v0;
	v0 =	vld [tilespmem:s1+$0x197F0]  }
0xd4: {  	v1 =	vld.idx.msk [tilespmem:v2+s5+$0x0], $0xffff  }
.Ltmp1:
0xd5: {  	(pc) =	sbr.rel @p0 .LBB2_5-.Ltmp1, $2  }
0xd6: {  	_ =	sdelay $0x2  }
0xd7: {  	s15 =	sshra.s32 s2, $0x2;
	s2 =	sadd.s32 $0x400, s2  }
0xd8: {  	_ =	sdelay $0x1  }
0xd9: {  	v2 =	vld [tilespmem:s15+$0x19700]  }
0xda: {  	[tilespmem:s1+$0x1B7E0] =	vst v1  }
0xdb: {  	v0 =	vld.idx.msk [tilespmem:v0+s5+$0x0], $0xffff;
	_ =	sdelay $0x3  }
0xdc: {  	v1 =	vld [tilespmem:s15+$0x19710]  }
0xdd: {  	[tilespmem:s1+$0x1B7F0] =	vst v0  }
0xde: {  	v0 =	vld.idx.msk [tilespmem:v2+s5+$0x0], $0xffff;
	_ =	sdelay $0x4  }
0xdf: {  	[tilespmem:s15+$0x1B700] =	vst v0;
	v0 =	vld [tilespmem:s15+$0x19720]  }
0xe0: {  	v1 =	vld.idx.msk [tilespmem:v1+s5+$0x0], $0xffff;
	_ =	sdelay $0x4  }
0xe1: {  	[tilespmem:s15+$0x1B710] =	vst v1;
	v1 =	vld [tilespmem:s15+$0x19730];
	_ =	sdelay $0x1  }
0xe2: {  	v0 =	vld.idx.msk [tilespmem:v0+s5+$0x0], $0xffff;
	_ =	sdelay $0x4  }
0xe3: {  	[tilespmem:s15+$0x1B720] =	vst v0;
	v0 =	vld [tilespmem:s15+$0x19740]  }
0xe4: {  	v1 =	vld.idx.msk [tilespmem:v1+s5+$0x0], $0xffff;
	_ =	sdelay $0x4  }
0xe5: {  	[tilespmem:s15+$0x1B730] =	vst v1;
	v1 =	vld [tilespmem:s15+$0x19750];
	_ =	sdelay $0x1  }
0xe6: {  	v0 =	vld.idx.msk [tilespmem:v0+s5+$0x0], $0xffff;
	_ =	sdelay $0x4  }
0xe7: {  	[tilespmem:s15+$0x1B740] =	vst v0;
	v0 =	vld [tilespmem:s15+$0x19760]  }
0xe8: {  	v1 =	vld.idx.msk [tilespmem:v1+s5+$0x0], $0xffff;
	_ =	sdelay $0x4  }
0xe9: {  	[tilespmem:s15+$0x1B750] =	vst v1;
	v1 =	vld [tilespmem:s15+$0x19770];
	_ =	sdelay $0x1  }
0xea: {  	v0 =	vld.idx.msk [tilespmem:v0+s5+$0x0], $0xffff;
	_ =	sdelay $0x4  }
0xeb: {  	[tilespmem:s15+$0x1B760] =	vst v0;
	v0 =	vld [tilespmem:s15+$0x19780]  }
0xec: {  	v1 =	vld.idx.msk [tilespmem:v1+s5+$0x0], $0xffff;
	_ =	sdelay $0x4  }
0xed: {  	[tilespmem:s15+$0x1B770] =	vst v1;
	v1 =	vld [tilespmem:s15+$0x19790];
	_ =	sdelay $0x1  }
0xee: {  	v0 =	vld.idx.msk [tilespmem:v0+s5+$0x0], $0xffff;
	_ =	sdelay $0x4  }
0xef: {  	[tilespmem:s15+$0x1B780] =	vst v0;
	v0 =	vld [tilespmem:s15+$0x197A0]  }
0xf0: {  	v1 =	vld.idx.msk [tilespmem:v1+s5+$0x0], $0xffff;
	_ =	sdelay $0x4  }
0xf1: {  	[tilespmem:s15+$0x1B790] =	vst v1;
	v1 =	vld [tilespmem:s15+$0x197B0];
	_ =	sdelay $0x1  }
0xf2: {  	v0 =	vld.idx.msk [tilespmem:v0+s5+$0x0], $0xffff;
	_ =	sdelay $0x4  }
0xf3: {  	[tilespmem:s15+$0x1B7A0] =	vst v0;
	v0 =	vld [tilespmem:s15+$0x197C0]  }
0xf4: {  	v1 =	vld.idx.msk [tilespmem:v1+s5+$0x0], $0xffff;
	_ =	sdelay $0x4  }
0xf5: {  	[tilespmem:s15+$0x1B7B0] =	vst v1;
	v1 =	vld [tilespmem:s15+$0x197D0];
	_ =	sdelay $0x1  }
0xf6: {  	v0 =	vld.idx.msk [tilespmem:v0+s5+$0x0], $0xffff;
	_ =	sdelay $0x4  }
0xf7: {  	[tilespmem:s15+$0x1B7C0] =	vst v0;
	v0 =	vld [tilespmem:s15+$0x197E0]  }
0xf8: {  	v1 =	vld.idx.msk [tilespmem:v1+s5+$0x0], $0xffff;
	_ =	sdelay $0x4  }
0xf9: {  	[tilespmem:s15+$0x1B7D0] =	vst v1;
	v1 =	vld [tilespmem:s15+$0x197F0];
	_ =	sdelay $0x1  }
0xfa: {  	v0 =	vld.idx.msk [tilespmem:v0+s5+$0x0], $0xffff;
	_ =	sdelay $0x4  }
0xfb: {  	[tilespmem:s15+$0x1B7E0] =	vst v0  }
0xfc: {  	v0 =	vld.idx.msk [tilespmem:v1+s5+$0x0], $0xffff;
	_ =	sdelay $0x4  }
0xfd: {  	[tilespmem:s15+$0x1B7F0] =	vst v0;
	s15 =	sadd.s32 s30, s11  }
0xfe: {  	[hbm4b:s15+s16] =	stream.strided.scatter [tilespmem:s24], [sflag:$0x5], $0x1000, s17, s16, $0x38;
	[tilespmem:$0x1C700] =	vst v63  }
0xff: {  	s31 =	sadd.s32 s31, s12  }
0x100: {  	[tilespmem:s20], [sflag:$0x3] =	stream.strided.gather [hbm4b:s31+s16], $0x1000, s17, s16, $0x38;
	[tilespmem:$0x1C700] =	vst v63  }
0x101: {  	_ =	swait.ge [sflag:s21], $0x1000  }
0x102: {  	[sflag:s21] =	ssyncset.done $0x0  }
0x103: {  	[sflag:s21] =	ssyncadd.s32 $0xFFFFF000  }
0x104: {  	_ =	swait.ge [sflag:s25], $0x1000  }
0x105: {  	[sflag:s25] =	ssyncset.done $0x0  }
0x106: {  	s1 =	simm.s32 $0x0;
	[sflag:s25] =	ssyncadd.s32 $0xFFFFF000  }
0x107: {  	v0 =	vld [tilespmem:s1+$0x18700];
	_ =	sdelay $0x5  }
0x108: {  	v1 =	vld [tilespmem:s1+$0x18710];
	_ =	sdelay $0x1  }
0x109: {  	v0 =	vld.idx.msk [tilespmem:v0+s5+$0x0], $0xffff;
	_ =	sdelay $0x4  }
0x10a: {  	[tilespmem:s1+$0x1A700] =	vst v0;
	v0 =	vld [tilespmem:s1+$0x18720]  }
0x10b: {  	v1 =	vld.idx.msk [tilespmem:v1+s5+$0x0], $0xffff;
	_ =	sdelay $0x4  }
0x10c: {  	[tilespmem:s1+$0x1A710] =	vst v1;
	v1 =	vld [tilespmem:s1+$0x18730];
	_ =	sdelay $0x1  }
0x10d: {  	v0 =	vld.idx.msk [tilespmem:v0+s5+$0x0], $0xffff;
	_ =	sdelay $0x4  }
0x10e: {  	[tilespmem:s1+$0x1A720] =	vst v0;
	v0 =	vld [tilespmem:s1+$0x18740]  }
0x10f: {  	v1 =	vld.idx.msk [tilespmem:v1+s5+$0x0], $0xffff;
	_ =	sdelay $0x4  }
0x110: {  	[tilespmem:s1+$0x1A730] =	vst v1;
	v1 =	vld [tilespmem:s1+$0x18750];
	_ =	sdelay $0x1  }
0x111: {  	v0 =	vld.idx.msk [tilespmem:v0+s5+$0x0], $0xffff;
	_ =	sdelay $0x4  }
0x112: {  	[tilespmem:s1+$0x1A740] =	vst v0;
	v0 =	vld [tilespmem:s1+$0x18760]  }
0x113: {  	v1 =	vld.idx.msk [tilespmem:v1+s5+$0x0], $0xffff;
	_ =	sdelay $0x4  }
0x114: {  	[tilespmem:s1+$0x1A750] =	vst v1;
	v1 =	vld [tilespmem:s1+$0x18770];
	_ =	sdelay $0x1  }
0x115: {  	v0 =	vld.idx.msk [tilespmem:v0+s5+$0x0], $0xffff;
	_ =	sdelay $0x4  }
0x116: {  	[tilespmem:s1+$0x1A760] =	vst v0;
	v0 =	vld [tilespmem:s1+$0x18780]  }
0x117: {  	v1 =	vld.idx.msk [tilespmem:v1+s5+$0x0], $0xffff;
	_ =	sdelay $0x4  }
0x118: {  	[tilespmem:s1+$0x1A770] =	vst v1;
	v1 =	vld [tilespmem:s1+$0x18790];
	_ =	sdelay $0x1  }
0x119: {  	v0 =	vld.idx.msk [tilespmem:v0+s5+$0x0], $0xffff;
	_ =	sdelay $0x4  }
0x11a: {  	[tilespmem:s1+$0x1A780] =	vst v0;
	v0 =	vld [tilespmem:s1+$0x187A0]  }
0x11b: {  	v1 =	vld.idx.msk [tilespmem:v1+s5+$0x0], $0xffff;
	_ =	sdelay $0x4  }
0x11c: {  	[tilespmem:s1+$0x1A790] =	vst v1;
	v1 =	vld [tilespmem:s1+$0x187B0];
	_ =	sdelay $0x1  }
0x11d: {  	v0 =	vld.idx.msk [tilespmem:v0+s5+$0x0], $0xffff;
	_ =	sdelay $0x4  }
0x11e: {  	[tilespmem:s1+$0x1A7A0] =	vst v0;
	v0 =	vld [tilespmem:s1+$0x187C0]  }
0x11f: {  	v1 =	vld.idx.msk [tilespmem:v1+s5+$0x0], $0xffff;
	_ =	sdelay $0x4  }
0x120: {  	[tilespmem:s1+$0x1A7B0] =	vst v1;
	v1 =	vld [tilespmem:s1+$0x187D0];
	_ =	sdelay $0x1  }
0x121: {  	v0 =	vld.idx.msk [tilespmem:v0+s5+$0x0], $0xffff;
	_ =	sdelay $0x4  }
0x122: {  	v2 =	vld [tilespmem:s1+$0x187E0];
	[tilespmem:s1+$0x1A7C0] =	vst v0  }
0x123: {  	v0 =	vld.idx.msk [tilespmem:v1+s5+$0x0], $0xffff;
	_ =	sdelay $0x4  }
0x124: {  	[tilespmem:s1+$0x1A7D0] =	vst v0;
	v0 =	vld [tilespmem:s1+$0x187F0];
	_ =	sdelay $0x1  }
0x125: {  	v1 =	vld.idx.msk [tilespmem:v2+s5+$0x0], $0xffff;
	_ =	sdelay $0x3  }
0x126: {  	s2 =	simm.s32 $0x800;
	s15 =	simm.s32 $0x100  }
.LBB2_7:
0x127: {  	p0 =	sne.s32 s2, $0x3C00;
	v2 =	vld [tilespmem:s15+$0x18700];
	[tilespmem:s1+$0x1A7E0] =	vst v1  }
0x128: {  	v0 =	vld.idx.msk [tilespmem:v0+s5+$0x0], $0xffff;
	_ =	sdelay $0x5  }
0x129: {  	v1 =	vld [tilespmem:s15+$0x18710];
	[tilespmem:s1+$0x1A7F0] =	vst v0;
	s1 =	smov.u32 s15  }
0x12a: {  	v0 =	vld.idx.msk [tilespmem:v2+s5+$0x0], $0xffff;
	_ =	sdelay $0x5  }
0x12b: {  	[tilespmem:s1+$0x1A700] =	vst v0;
	v0 =	vld [tilespmem:s1+$0x18720]  }
0x12c: {  	v1 =	vld.idx.msk [tilespmem:v1+s5+$0x0], $0xffff;
	_ =	sdelay $0x5  }
0x12d: {  	[tilespmem:s1+$0x1A710] =	vst v1;
	v1 =	vld [tilespmem:s1+$0x18730]  }
0x12e: {  	v0 =	vld.idx.msk [tilespmem:v0+s5+$0x0], $0xffff;
	_ =	sdelay $0x5  }
0x12f: {  	[tilespmem:s1+$0x1A720] =	vst v0;
	v0 =	vld [tilespmem:s1+$0x18740]  }
0x130: {  	v1 =	vld.idx.msk [tilespmem:v1+s5+$0x0], $0xffff;
	_ =	sdelay $0x5  }
0x131: {  	[tilespmem:s1+$0x1A730] =	vst v1;
	v1 =	vld [tilespmem:s1+$0x18750]  }
0x132: {  	v0 =	vld.idx.msk [tilespmem:v0+s5+$0x0], $0xffff;
	_ =	sdelay $0x5  }
0x133: {  	[tilespmem:s1+$0x1A740] =	vst v0;
	v0 =	vld [tilespmem:s1+$0x18760]  }
0x134: {  	v1 =	vld.idx.msk [tilespmem:v1+s5+$0x0], $0xffff;
	_ =	sdelay $0x5  }
0x135: {  	[tilespmem:s1+$0x1A750] =	vst v1;
	v1 =	vld [tilespmem:s1+$0x18770]  }
0x136: {  	v0 =	vld.idx.msk [tilespmem:v0+s5+$0x0], $0xffff;
	_ =	sdelay $0x5  }
0x137: {  	[tilespmem:s1+$0x1A760] =	vst v0;
	v0 =	vld [tilespmem:s1+$0x18780]  }
0x138: {  	v1 =	vld.idx.msk [tilespmem:v1+s5+$0x0], $0xffff;
	_ =	sdelay $0x5  }
0x139: {  	[tilespmem:s1+$0x1A770] =	vst v1;
	v1 =	vld [tilespmem:s1+$0x18790]  }
0x13a: {  	v0 =	vld.idx.msk [tilespmem:v0+s5+$0x0], $0xffff;
	_ =	sdelay $0x5  }
0x13b: {  	[tilespmem:s1+$0x1A780] =	vst v0;
	v0 =	vld [tilespmem:s1+$0x187A0]  }
0x13c: {  	v1 =	vld.idx.msk [tilespmem:v1+s5+$0x0], $0xffff;
	_ =	sdelay $0x5  }
0x13d: {  	[tilespmem:s1+$0x1A790] =	vst v1;
	v1 =	vld [tilespmem:s1+$0x187B0]  }
0x13e: {  	v0 =	vld.idx.msk [tilespmem:v0+s5+$0x0], $0xffff;
	_ =	sdelay $0x5  }
0x13f: {  	[tilespmem:s1+$0x1A7A0] =	vst v0;
	v0 =	vld [tilespmem:s1+$0x187C0]  }
0x140: {  	v1 =	vld.idx.msk [tilespmem:v1+s5+$0x0], $0xffff;
	_ =	sdelay $0x5  }
0x141: {  	[tilespmem:s1+$0x1A7B0] =	vst v1;
	v1 =	vld [tilespmem:s1+$0x187D0]  }
0x142: {  	v0 =	vld.idx.msk [tilespmem:v0+s5+$0x0], $0xffff;
	_ =	sdelay $0x5  }
0x143: {  	[tilespmem:s1+$0x1A7C0] =	vst v0;
	v2 =	vld [tilespmem:s1+$0x187E0]  }
0x144: {  	v0 =	vld.idx.msk [tilespmem:v1+s5+$0x0], $0xffff;
	_ =	sdelay $0x5  }
0x145: {  	[tilespmem:s1+$0x1A7D0] =	vst v0;
	v0 =	vld [tilespmem:s1+$0x187F0]  }
0x146: {  	v1 =	vld.idx.msk [tilespmem:v2+s5+$0x0], $0xffff  }
.Ltmp2:
0x147: {  	(pc) =	sbr.rel @p0 .LBB2_7-.Ltmp2, $2  }
0x148: {  	_ =	sdelay $0x2  }
0x149: {  	s15 =	sshra.s32 s2, $0x2;
	s2 =	sadd.s32 $0x400, s2  }
0x14a: {  	_ =	sdelay $0x1  }
0x14b: {  	v2 =	vld [tilespmem:s15+$0x18700]  }
0x14c: {  	[tilespmem:s1+$0x1A7E0] =	vst v1  }
0x14d: {  	v0 =	vld.idx.msk [tilespmem:v0+s5+$0x0], $0xffff;
	_ =	sdelay $0x3  }
0x14e: {  	v1 =	vld [tilespmem:s15+$0x18710]  }
0x14f: {  	[tilespmem:s1+$0x1A7F0] =	vst v0  }
0x150: {  	v0 =	vld.idx.msk [tilespmem:v2+s5+$0x0], $0xffff;
	_ =	sdelay $0x4  }
0x151: {  	[tilespmem:s15+$0x1A700] =	vst v0;
	v0 =	vld [tilespmem:s15+$0x18720]  }
0x152: {  	v1 =	vld.idx.msk [tilespmem:v1+s5+$0x0], $0xffff;
	_ =	sdelay $0x4  }
0x153: {  	[tilespmem:s15+$0x1A710] =	vst v1;
	v1 =	vld [tilespmem:s15+$0x18730];
	_ =	sdelay $0x1  }
0x154: {  	v0 =	vld.idx.msk [tilespmem:v0+s5+$0x0], $0xffff;
	_ =	sdelay $0x4  }
0x155: {  	[tilespmem:s15+$0x1A720] =	vst v0;
	v0 =	vld [tilespmem:s15+$0x18740]  }
0x156: {  	v1 =	vld.idx.msk [tilespmem:v1+s5+$0x0], $0xffff;
	_ =	sdelay $0x4  }
0x157: {  	[tilespmem:s15+$0x1A730] =	vst v1;
	v1 =	vld [tilespmem:s15+$0x18750];
	_ =	sdelay $0x1  }
0x158: {  	v0 =	vld.idx.msk [tilespmem:v0+s5+$0x0], $0xffff;
	_ =	sdelay $0x4  }
0x159: {  	[tilespmem:s15+$0x1A740] =	vst v0;
	v0 =	vld [tilespmem:s15+$0x18760]  }
0x15a: {  	v1 =	vld.idx.msk [tilespmem:v1+s5+$0x0], $0xffff;
	_ =	sdelay $0x4  }
0x15b: {  	[tilespmem:s15+$0x1A750] =	vst v1;
	v1 =	vld [tilespmem:s15+$0x18770];
	_ =	sdelay $0x1  }
0x15c: {  	v0 =	vld.idx.msk [tilespmem:v0+s5+$0x0], $0xffff;
	_ =	sdelay $0x4  }
0x15d: {  	[tilespmem:s15+$0x1A760] =	vst v0;
	v0 =	vld [tilespmem:s15+$0x18780]  }
0x15e: {  	v1 =	vld.idx.msk [tilespmem:v1+s5+$0x0], $0xffff;
	_ =	sdelay $0x4  }
0x15f: {  	[tilespmem:s15+$0x1A770] =	vst v1;
	v1 =	vld [tilespmem:s15+$0x18790];
	_ =	sdelay $0x1  }
0x160: {  	v0 =	vld.idx.msk [tilespmem:v0+s5+$0x0], $0xffff;
	_ =	sdelay $0x4  }
0x161: {  	[tilespmem:s15+$0x1A780] =	vst v0;
	v0 =	vld [tilespmem:s15+$0x187A0]  }
0x162: {  	v1 =	vld.idx.msk [tilespmem:v1+s5+$0x0], $0xffff;
	_ =	sdelay $0x4  }
0x163: {  	[tilespmem:s15+$0x1A790] =	vst v1;
	v1 =	vld [tilespmem:s15+$0x187B0];
	_ =	sdelay $0x1  }
0x164: {  	v0 =	vld.idx.msk [tilespmem:v0+s5+$0x0], $0xffff;
	_ =	sdelay $0x4  }
0x165: {  	[tilespmem:s15+$0x1A7A0] =	vst v0;
	v0 =	vld [tilespmem:s15+$0x187C0]  }
0x166: {  	v1 =	vld.idx.msk [tilespmem:v1+s5+$0x0], $0xffff;
	_ =	sdelay $0x4  }
0x167: {  	[tilespmem:s15+$0x1A7B0] =	vst v1;
	v1 =	vld [tilespmem:s15+$0x187D0];
	_ =	sdelay $0x1  }
0x168: {  	v0 =	vld.idx.msk [tilespmem:v0+s5+$0x0], $0xffff;
	_ =	sdelay $0x4  }
0x169: {  	[tilespmem:s15+$0x1A7C0] =	vst v0;
	v0 =	vld [tilespmem:s15+$0x187E0]  }
0x16a: {  	v1 =	vld.idx.msk [tilespmem:v1+s5+$0x0], $0xffff;
	_ =	sdelay $0x4  }
0x16b: {  	[tilespmem:s15+$0x1A7D0] =	vst v1;
	v1 =	vld [tilespmem:s15+$0x187F0];
	_ =	sdelay $0x1  }
0x16c: {  	v0 =	vld.idx.msk [tilespmem:v0+s5+$0x0], $0xffff;
	_ =	sdelay $0x4  }
0x16d: {  	[tilespmem:s15+$0x1A7E0] =	vst v0  }
0x16e: {  	v0 =	vld.idx.msk [tilespmem:v1+s5+$0x0], $0xffff;
	_ =	sdelay $0x4  }
0x16f: {  	s31 =	sadd.s32 s30, s13;
	[tilespmem:s15+$0x1A7F0] =	vst v0  }
0x170: {  	[hbm4b:s31+s16] =	stream.strided.scatter [tilespmem:s22], [sflag:$0x4], $0x1000, s17, s16, $0x38;
	[tilespmem:$0x1C700] =	vst v63  }
0x171: {  	_ =	swait.ge [sflag:s23], $0x1000  }
0x172: {  	[sflag:s23] =	ssyncset.done $0x0  }
0x173: {  	[sflag:s23] =	ssyncadd.s32 $0xFFFFF000  }
0x174: {  	_ =	swait.ge [sflag:s26], $0x1000  }
0x175: {  	[sflag:s26] =	ssyncset.done $0x0  }
0x176: {  	s1 =	simm.s32 $0x0;
	[sflag:s26] =	ssyncadd.s32 $0xFFFFF000  }
0x177: {  	v0 =	vld [tilespmem:s1+$0x19700];
	_ =	sdelay $0x5  }
0x178: {  	v1 =	vld [tilespmem:s1+$0x19710];
	_ =	sdelay $0x1  }
0x179: {  	v0 =	vld.idx.msk [tilespmem:v0+s5+$0x0], $0xffff;
	_ =	sdelay $0x4  }
0x17a: {  	[tilespmem:s1+$0x1B700] =	vst v0;
	v0 =	vld [tilespmem:s1+$0x19720]  }
0x17b: {  	v1 =	vld.idx.msk [tilespmem:v1+s5+$0x0], $0xffff;
	_ =	sdelay $0x4  }
0x17c: {  	[tilespmem:s1+$0x1B710] =	vst v1;
	v1 =	vld [tilespmem:s1+$0x19730];
	_ =	sdelay $0x1  }
0x17d: {  	v0 =	vld.idx.msk [tilespmem:v0+s5+$0x0], $0xffff;
	_ =	sdelay $0x4  }
0x17e: {  	[tilespmem:s1+$0x1B720] =	vst v0;
	v0 =	vld [tilespmem:s1+$0x19740]  }
0x17f: {  	v1 =	vld.idx.msk [tilespmem:v1+s5+$0x0], $0xffff;
	_ =	sdelay $0x4  }
0x180: {  	[tilespmem:s1+$0x1B730] =	vst v1;
	v1 =	vld [tilespmem:s1+$0x19750];
	_ =	sdelay $0x1  }
0x181: {  	v0 =	vld.idx.msk [tilespmem:v0+s5+$0x0], $0xffff;
	_ =	sdelay $0x4  }
0x182: {  	[tilespmem:s1+$0x1B740] =	vst v0;
	v0 =	vld [tilespmem:s1+$0x19760]  }
0x183: {  	v1 =	vld.idx.msk [tilespmem:v1+s5+$0x0], $0xffff;
	_ =	sdelay $0x4  }
0x184: {  	[tilespmem:s1+$0x1B750] =	vst v1;
	v1 =	vld [tilespmem:s1+$0x19770];
	_ =	sdelay $0x1  }
0x185: {  	v0 =	vld.idx.msk [tilespmem:v0+s5+$0x0], $0xffff;
	_ =	sdelay $0x4  }
0x186: {  	[tilespmem:s1+$0x1B760] =	vst v0;
	v0 =	vld [tilespmem:s1+$0x19780]  }
0x187: {  	v1 =	vld.idx.msk [tilespmem:v1+s5+$0x0], $0xffff;
	_ =	sdelay $0x4  }
0x188: {  	[tilespmem:s1+$0x1B770] =	vst v1;
	v1 =	vld [tilespmem:s1+$0x19790];
	_ =	sdelay $0x1  }
0x189: {  	v0 =	vld.idx.msk [tilespmem:v0+s5+$0x0], $0xffff;
	_ =	sdelay $0x4  }
0x18a: {  	[tilespmem:s1+$0x1B780] =	vst v0;
	v0 =	vld [tilespmem:s1+$0x197A0]  }
0x18b: {  	v1 =	vld.idx.msk [tilespmem:v1+s5+$0x0], $0xffff;
	_ =	sdelay $0x4  }
0x18c: {  	[tilespmem:s1+$0x1B790] =	vst v1;
	v1 =	vld [tilespmem:s1+$0x197B0];
	_ =	sdelay $0x1  }
0x18d: {  	v0 =	vld.idx.msk [tilespmem:v0+s5+$0x0], $0xffff;
	_ =	sdelay $0x4  }
0x18e: {  	[tilespmem:s1+$0x1B7A0] =	vst v0;
	v0 =	vld [tilespmem:s1+$0x197C0]  }
0x18f: {  	v1 =	vld.idx.msk [tilespmem:v1+s5+$0x0], $0xffff;
	_ =	sdelay $0x4  }
0x190: {  	[tilespmem:s1+$0x1B7B0] =	vst v1;
	v1 =	vld [tilespmem:s1+$0x197D0];
	_ =	sdelay $0x1  }
0x191: {  	v0 =	vld.idx.msk [tilespmem:v0+s5+$0x0], $0xffff;
	_ =	sdelay $0x4  }
0x192: {  	v2 =	vld [tilespmem:s1+$0x197E0];
	[tilespmem:s1+$0x1B7C0] =	vst v0  }
0x193: {  	v0 =	vld.idx.msk [tilespmem:v1+s5+$0x0], $0xffff;
	_ =	sdelay $0x4  }
0x194: {  	[tilespmem:s1+$0x1B7D0] =	vst v0;
	v0 =	vld [tilespmem:s1+$0x197F0];
	_ =	sdelay $0x1  }
0x195: {  	v1 =	vld.idx.msk [tilespmem:v2+s5+$0x0], $0xffff;
	_ =	sdelay $0x3  }
0x196: {  	s2 =	simm.s32 $0x800;
	s15 =	simm.s32 $0x100  }
.LBB2_9:
0x197: {  	p0 =	sne.s32 s2, $0x3C00;
	v2 =	vld [tilespmem:s15+$0x19700];
	[tilespmem:s1+$0x1B7E0] =	vst v1  }
0x198: {  	v0 =	vld.idx.msk [tilespmem:v0+s5+$0x0], $0xffff;
	_ =	sdelay $0x5  }
0x199: {  	v1 =	vld [tilespmem:s15+$0x19710];
	[tilespmem:s1+$0x1B7F0] =	vst v0;
	s1 =	smov.u32 s15  }
0x19a: {  	v0 =	vld.idx.msk [tilespmem:v2+s5+$0x0], $0xffff;
	_ =	sdelay $0x5  }
0x19b: {  	[tilespmem:s1+$0x1B700] =	vst v0;
	v0 =	vld [tilespmem:s1+$0x19720]  }
0x19c: {  	v1 =	vld.idx.msk [tilespmem:v1+s5+$0x0], $0xffff;
	_ =	sdelay $0x5  }
0x19d: {  	[tilespmem:s1+$0x1B710] =	vst v1;
	v1 =	vld [tilespmem:s1+$0x19730]  }
0x19e: {  	v0 =	vld.idx.msk [tilespmem:v0+s5+$0x0], $0xffff;
	_ =	sdelay $0x5  }
0x19f: {  	[tilespmem:s1+$0x1B720] =	vst v0;
	v0 =	vld [tilespmem:s1+$0x19740]  }
0x1a0: {  	v1 =	vld.idx.msk [tilespmem:v1+s5+$0x0], $0xffff;
	_ =	sdelay $0x5  }
0x1a1: {  	[tilespmem:s1+$0x1B730] =	vst v1;
	v1 =	vld [tilespmem:s1+$0x19750]  }
0x1a2: {  	v0 =	vld.idx.msk [tilespmem:v0+s5+$0x0], $0xffff;
	_ =	sdelay $0x5  }
0x1a3: {  	[tilespmem:s1+$0x1B740] =	vst v0;
	v0 =	vld [tilespmem:s1+$0x19760]  }
0x1a4: {  	v1 =	vld.idx.msk [tilespmem:v1+s5+$0x0], $0xffff;
	_ =	sdelay $0x5  }
0x1a5: {  	[tilespmem:s1+$0x1B750] =	vst v1;
	v1 =	vld [tilespmem:s1+$0x19770]  }
0x1a6: {  	v0 =	vld.idx.msk [tilespmem:v0+s5+$0x0], $0xffff;
	_ =	sdelay $0x5  }
0x1a7: {  	[tilespmem:s1+$0x1B760] =	vst v0;
	v0 =	vld [tilespmem:s1+$0x19780]  }
0x1a8: {  	v1 =	vld.idx.msk [tilespmem:v1+s5+$0x0], $0xffff;
	_ =	sdelay $0x5  }
0x1a9: {  	[tilespmem:s1+$0x1B770] =	vst v1;
	v1 =	vld [tilespmem:s1+$0x19790]  }
0x1aa: {  	v0 =	vld.idx.msk [tilespmem:v0+s5+$0x0], $0xffff;
	_ =	sdelay $0x5  }
0x1ab: {  	[tilespmem:s1+$0x1B780] =	vst v0;
	v0 =	vld [tilespmem:s1+$0x197A0]  }
0x1ac: {  	v1 =	vld.idx.msk [tilespmem:v1+s5+$0x0], $0xffff;
	_ =	sdelay $0x5  }
0x1ad: {  	[tilespmem:s1+$0x1B790] =	vst v1;
	v1 =	vld [tilespmem:s1+$0x197B0]  }
0x1ae: {  	v0 =	vld.idx.msk [tilespmem:v0+s5+$0x0], $0xffff;
	_ =	sdelay $0x5  }
0x1af: {  	[tilespmem:s1+$0x1B7A0] =	vst v0;
	v0 =	vld [tilespmem:s1+$0x197C0]  }
0x1b0: {  	v1 =	vld.idx.msk [tilespmem:v1+s5+$0x0], $0xffff;
	_ =	sdelay $0x5  }
0x1b1: {  	[tilespmem:s1+$0x1B7B0] =	vst v1;
	v1 =	vld [tilespmem:s1+$0x197D0]  }
0x1b2: {  	v0 =	vld.idx.msk [tilespmem:v0+s5+$0x0], $0xffff;
	_ =	sdelay $0x5  }
0x1b3: {  	[tilespmem:s1+$0x1B7C0] =	vst v0;
	v2 =	vld [tilespmem:s1+$0x197E0]  }
0x1b4: {  	v0 =	vld.idx.msk [tilespmem:v1+s5+$0x0], $0xffff;
	_ =	sdelay $0x5  }
0x1b5: {  	[tilespmem:s1+$0x1B7D0] =	vst v0;
	v0 =	vld [tilespmem:s1+$0x197F0]  }
0x1b6: {  	v1 =	vld.idx.msk [tilespmem:v2+s5+$0x0], $0xffff  }
.Ltmp3:
0x1b7: {  	(pc) =	sbr.rel @p0 .LBB2_9-.Ltmp3, $2  }
0x1b8: {  	_ =	sdelay $0x2  }
0x1b9: {  	s15 =	sshra.s32 s2, $0x2;
	s2 =	sadd.s32 $0x400, s2  }
0x1ba: {  	_ =	sdelay $0x1  }
0x1bb: {  	v2 =	vld [tilespmem:s15+$0x19700]  }
0x1bc: {  	[tilespmem:s1+$0x1B7E0] =	vst v1  }
0x1bd: {  	v0 =	vld.idx.msk [tilespmem:v0+s5+$0x0], $0xffff;
	_ =	sdelay $0x3  }
0x1be: {  	v1 =	vld [tilespmem:s15+$0x19710]  }
0x1bf: {  	[tilespmem:s1+$0x1B7F0] =	vst v0  }
0x1c0: {  	v0 =	vld.idx.msk [tilespmem:v2+s5+$0x0], $0xffff;
	_ =	sdelay $0x3  }
0x1c1: {  	v50 =	vld [tilespmem:s15+$0x19720]  }
0x1c2: {  	[tilespmem:s15+$0x1B700] =	vst v0  }
0x1c3: {  	v1 =	vld.idx.msk [tilespmem:v1+s5+$0x0], $0xffff;
	_ =	sdelay $0x3  }
0x1c4: {  	v51 =	vld [tilespmem:s15+$0x19730]  }
0x1c5: {  	[tilespmem:s15+$0x1B710] =	vst v1  }
0x1c6: {  	v0 =	vld.idx.msk [tilespmem:v50+s5+$0x0], $0xffff;
	_ =	sdelay $0x3  }
0x1c7: {  	v52 =	vld [tilespmem:s15+$0x19740]  }
0x1c8: {  	[tilespmem:s15+$0x1B720] =	vst v0  }
0x1c9: {  	v1 =	vld.idx.msk [tilespmem:v51+s5+$0x0], $0xffff;
	_ =	sdelay $0x3  }
0x1ca: {  	v53 =	vld [tilespmem:s15+$0x19750]  }
0x1cb: {  	[tilespmem:s15+$0x1B730] =	vst v1  }
0x1cc: {  	v0 =	vld.idx.msk [tilespmem:v52+s5+$0x0], $0xffff;
	_ =	sdelay $0x3  }
0x1cd: {  	v54 =	vld [tilespmem:s15+$0x19760]  }
0x1ce: {  	[tilespmem:s15+$0x1B740] =	vst v0  }
0x1cf: {  	v1 =	vld.idx.msk [tilespmem:v53+s5+$0x0], $0xffff;
	_ =	sdelay $0x3  }
0x1d0: {  	v55 =	vld [tilespmem:s15+$0x19770]  }
0x1d1: {  	[tilespmem:s15+$0x1B750] =	vst v1  }
0x1d2: {  	v0 =	vld.idx.msk [tilespmem:v54+s5+$0x0], $0xffff;
	_ =	sdelay $0x3  }
0x1d3: {  	v56 =	vld [tilespmem:s15+$0x19780]  }
0x1d4: {  	[tilespmem:s15+$0x1B760] =	vst v0  }
0x1d5: {  	v1 =	vld.idx.msk [tilespmem:v55+s5+$0x0], $0xffff;
	_ =	sdelay $0x3  }
0x1d6: {  	v57 =	vld [tilespmem:s15+$0x19790]  }
0x1d7: {  	[tilespmem:s15+$0x1B770] =	vst v1  }
0x1d8: {  	v0 =	vld.idx.msk [tilespmem:v56+s5+$0x0], $0xffff;
	_ =	sdelay $0x3  }
0x1d9: {  	v58 =	vld [tilespmem:s15+$0x197A0]  }
0x1da: {  	[tilespmem:s15+$0x1B780] =	vst v0  }
0x1db: {  	v1 =	vld.idx.msk [tilespmem:v57+s5+$0x0], $0xffff;
	_ =	sdelay $0x3  }
0x1dc: {  	v59 =	vld [tilespmem:s15+$0x197B0]  }
0x1dd: {  	[tilespmem:s15+$0x1B790] =	vst v1  }
0x1de: {  	v0 =	vld.idx.msk [tilespmem:v58+s5+$0x0], $0xffff;
	_ =	sdelay $0x3  }
0x1df: {  	v60 =	vld [tilespmem:s15+$0x197C0]  }
0x1e0: {  	[tilespmem:s15+$0x1B7A0] =	vst v0  }
0x1e1: {  	v1 =	vld.idx.msk [tilespmem:v59+s5+$0x0], $0xffff;
	_ =	sdelay $0x3  }
0x1e2: {  	v61 =	vld [tilespmem:s15+$0x197D0]  }
0x1e3: {  	[tilespmem:s15+$0x1B7B0] =	vst v1  }
0x1e4: {  	v0 =	vld.idx.msk [tilespmem:v60+s5+$0x0], $0xffff;
	_ =	sdelay $0x3  }
0x1e5: {  	v62 =	vld [tilespmem:s15+$0x197E0]  }
0x1e6: {  	[tilespmem:s15+$0x1B7C0] =	vst v0  }
0x1e7: {  	v1 =	vld.idx.msk [tilespmem:v61+s5+$0x0], $0xffff;
	_ =	sdelay $0x3  }
0x1e8: {  	v63 =	vld [tilespmem:s15+$0x197F0]  }
0x1e9: {  	[tilespmem:s15+$0x1B7D0] =	vst v1  }
0x1ea: {  	v0 =	vld.idx.msk [tilespmem:v62+s5+$0x0], $0xffff;
	_ =	sdelay $0x4  }
0x1eb: {  	[tilespmem:s15+$0x1B7E0] =	vst v0  }
0x1ec: {  	v0 =	vld.idx.msk [tilespmem:v63+s5+$0x0], $0xffff;
	_ =	sdelay $0x4  }
0x1ed: {  	s31 =	sadd.s32 s30, s14;
	s29 =	sadd.s32 $0x1, s29;
	[tilespmem:s15+$0x1B7F0] =	vst v0  }
0x1ee: {  	[hbm4b:s31+s16] =	stream.strided.scatter [tilespmem:s24], [sflag:$0x5], $0x1000, s17, s16, $0x38;
	[tilespmem:$0x1C700] =	vst v63  }
0x1ef: {  	p0 =	sne.s32 s29, $0x1A;
	_ =	swait.ge [sflag:s25], $0x1000  }
.Ltmp4:
0x1f0: {  	[sflag:s25] =	ssyncset.done $0x0;
	(pc) =	sbr.rel @p0 .LBB2_2-.Ltmp4, $4  }
0x1f1: {  	[sflag:s25] =	ssyncadd.s32 $0xFFFFF000  }
0x1f2: {  	_ =	swait.ge [sflag:s26], $0x1000  }
0x1f3: {  	[sflag:s26] =	ssyncset.done $0x0  }
0x1f4: {  	[sflag:s26] =	ssyncadd.s32 $0xFFFFF000  }
0x1f5: {  	s28 =	sadd.s32 $0x1, s28;
	s1 =	rddreg [dreg:$0x4]  }
0x1f6: {  	p0 =	sne.s32 s28, s1  }
.Ltmp5:
0x1f7: {  	_ = 	snop;
	(pc) =	sbr.rel @p0 .LBB2_1-.Ltmp5, $1  }
0x1f8: {  	_ =	sdelay $0x3  }
0x1f9: {  	_ =	sfence.sel $0x180000  }
0x1fa: {  	[bflag:$0x0] =	sbarrier.arrive $0xFFFF  }
0x1fb: {  	_ =	strace $0x90000047  }
0x1fc: {  	s0 =	stileid.u32;
	[bflag:$0x2] =	sbarrier.arrive $0xFFFF  }
0x1fd: {  	p0 =	sne.s32 s0, $0x0;
	s0 =	rddreg [dreg:$0x3]  }
0x1fe: {  	s0 =	sadd.s32 @!p0 $0x100000, s0  }
0x1ff: {  	[sflag:s0] =	ssyncadd.tile.s32 @!p0 $0x1;
	_ =	shalt  }
.Lfunc_end2:
_tile_overlayer_lowered:
.L_overlay_start_2:
0x200: {  	(tag) =	ssettag $0x2  }
0x201: {  	s0 =	rddreg [dreg:$0x0];
	s2 =	stileid.u32  }
0x202: {  	s1 =	rddreg [dreg:$0x1];
	p0 =	sne.s32 s2, $0x0  }
0x203: {  	s3 =	rddreg [dreg:$0x2];
	[bflag:$0x3] =	sbarrier.arrive $0xFFFF;
	s2 =	simm.s32 @!p0 $0x1C06  }
0x204: {  	[timem:s3], [sflag:s2] =	dma.local @!p0 [hbm:s0], s1  }
0x205: {  	s0 =	simm.s32 @!p0 $0x6  }
0x206: {  	_ =	swait.ge @!p0 [sflag:s0], s1  }
0x207: {  	s1 =	ssub.s32 @!p0 $0x0, s1;
	[sflag:s0] =	ssyncset.done @!p0 $0x0  }
0x208: {  	[sflag:s0] =	ssyncadd.s32 @!p0 s1  }
0x209: {  	[bflag:$0x3] =	sbarrier.arrive $0xFFFF  }
0x20a: {  	_ =	shalt  }

</sc_bundles>
